<compile_context>
chip_gen: v7x
topology: tpu7x:2x2x1
jax: 0.10.2.dev20260603
libtpu: 0.0.44.dev20260713+nightly
codegen_flags: <defaults>
</compile_context>

<pallas_src>
import functools

import jax
import jax.numpy as jnp
from jax import lax
from jax.experimental import pallas as pl
from jax.experimental.pallas import tpu as pltpu
from jax.experimental.pallas import tpu_sc as plsc

N = 10000
NPAD = 10240
PADNODE = 10016
E = 320000
NC = 2
NS = 16
NW = NC * NS
C = 128
CPW = 80
EPW = CPW * C
EPAD = EPW * NW
ROWS_PER_SUB = NPAD // NS

_mesh = plsc.VectorSubcoreMesh(core_axis_name="c", subcore_axis_name="s")


KB = 2
CPH = CPW // 2


@functools.partial(
    pl.kernel,
    mesh=_mesh,
    out_type=jax.ShapeDtypeStruct((NC, NPAD, 128), jnp.float32),
    scratch_types=[
        pltpu.VMEM((CPH, C), jnp.int32),
        pltpu.VMEM((CPH, C), jnp.int32),
        pltpu.VMEM((C, 128), jnp.float32),
        pltpu.VMEM((C, 128), jnp.float32),
        pltpu.VMEM_SHARED((NPAD, 128), jnp.float32),
        pltpu.SemaphoreType.DMA,
        pltpu.SemaphoreType.DMA,
    ],
)
def _edge_scatter(g_hbm, src_hbm, dst_hbm, zeros_hbm, out_hbm,
                  sv, dv, r0, r1, acc, sem, sadd):
  cid = lax.axis_index("c")
  sid = lax.axis_index("s")
  wid = sid * NC + cid
  rbase = sid * ROWS_PER_SUB
  rows = (r0, r1)
  pltpu.sync_copy(zeros_hbm.at[pl.ds(rbase, ROWS_PER_SUB)],
                  acc.at[pl.ds(rbase, ROWS_PER_SUB)])
  plsc.subcore_barrier()

  def body(grp, carry):
    for b in range(KB):
      pltpu.async_copy(g_hbm.at[sv.at[grp * KB + b]], rows[b], sem)
    for b in range(KB):
      pltpu.make_async_copy(g_hbm.at[sv.at[grp * KB + b]], rows[b], sem).wait()
    for b in range(KB):
      pltpu.async_copy(rows[b], acc.at[dv.at[grp * KB + b]], sadd, add=True)
    for b in range(KB):
      pltpu.make_async_copy(rows[b], acc.at[dv.at[grp * KB + b]], sadd).wait()
    return carry

  for h in range(2):
    pltpu.sync_copy(src_hbm.at[pl.ds(wid * CPW + h * CPH, CPH)], sv)
    pltpu.sync_copy(dst_hbm.at[pl.ds(wid * CPW + h * CPH, CPH)], dv)
    lax.fori_loop(0, CPH // KB, body, 0)

  plsc.subcore_barrier()
  pltpu.sync_copy(acc.at[pl.ds(rbase, ROWS_PER_SUB)],
                  out_hbm.at[cid].at[pl.ds(rbase, ROWS_PER_SUB)])


DEGW = 128


@functools.partial(
    pl.kernel,
    mesh=_mesh,
    out_type=jax.ShapeDtypeStruct((NC, NPAD, DEGW), jnp.float32),
    scratch_types=[
        pltpu.VMEM((CPW, C), jnp.int32),
        pltpu.VMEM((C, DEGW), jnp.float32),
        pltpu.VMEM_SHARED((NPAD, DEGW), jnp.float32),
        pltpu.SemaphoreType.DMA,
    ],
)
def _deg_kernel(dst_hbm, zeros_hbm, ones_hbm, out_hbm, dv, ones_v, acc, sadd):
  cid = lax.axis_index("c")
  sid = lax.axis_index("s")
  wid = sid * NC + cid
  base = sid * ROWS_PER_SUB
  pltpu.sync_copy(dst_hbm.at[pl.ds(wid * CPW, CPW)], dv)
  pltpu.sync_copy(ones_hbm, ones_v)
  pltpu.sync_copy(zeros_hbm.at[pl.ds(base, ROWS_PER_SUB)],
                  acc.at[pl.ds(base, ROWS_PER_SUB)])
  plsc.subcore_barrier()

  def body(grp, carry):
    for b in range(4):
      pltpu.async_copy(ones_v, acc.at[dv.at[grp * 4 + b]], sadd, add=True)
    for b in range(4):
      pltpu.make_async_copy(ones_v, acc.at[dv.at[grp * 4 + b]], sadd).wait()
    return carry

  lax.fori_loop(0, CPW // 4, body, 0)
  plsc.subcore_barrier()
  pltpu.sync_copy(acc.at[pl.ds(base, ROWS_PER_SUB)],
                  out_hbm.at[cid].at[pl.ds(base, ROWS_PER_SUB)])


R = 1024
GRID = NPAD // R


def _dinv_of(degp_ref):
  deg = degp_ref[0, :, 0] + degp_ref[1, :, 0] + 1.0
  return lax.rsqrt(deg)[:, None]


def _mm1_body(x_ref, w_ref, degp_ref, o_ref):
  h = jnp.dot(x_ref[...], w_ref[...], preferred_element_type=jnp.float32)
  o_ref[...] = h * _dinv_of(degp_ref)


def _mm2_body(s_ref, g1_ref, degp_ref, b1_ref, w2_ref, o_ref):
  dinv = _dinv_of(degp_ref)
  a = (s_ref[0] + s_ref[1] + g1_ref[...]) * dinv + b1_ref[...]
  a = jnp.maximum(a, 0.0)
  h = jnp.dot(a, w2_ref[...], preferred_element_type=jnp.float32)
  o_ref[...] = jnp.concatenate(
      [h * dinv, jnp.zeros((R, 64), jnp.float32)], axis=1)


def _fin_body(s_ref, g2_ref, degp_ref, b2_ref, o_ref):
  z = ((s_ref[0, :, :64] + s_ref[1, :, :64] + g2_ref[:, :64])
       * _dinv_of(degp_ref) + b2_ref[...])
  m = jnp.max(z, axis=1, keepdims=True)
  zs = z - m
  o_ref[...] = zs - jnp.log(jnp.sum(jnp.exp(zs), axis=1, keepdims=True))


def _row_spec(width):
  return pl.BlockSpec((R, width), lambda i: (i, 0))


def _pair_spec(width):
  return pl.BlockSpec((NC, R, width), lambda i: (0, i, 0))


_degp_spec = pl.BlockSpec((NC, R, DEGW), lambda i: (0, i, 0))
_full = lambda shape: pl.BlockSpec(shape, lambda i: (0,) * len(shape))


def _mm1_call(x, W1, degp):
  return pl.pallas_call(
      _mm1_body,
      grid=(GRID,),
      in_specs=[_row_spec(128), _full((128, 128)), _degp_spec],
      out_specs=_row_spec(128),
      out_shape=jax.ShapeDtypeStruct((NPAD, 128), jnp.float32),
  )(x, W1, degp)


def _mm2_call(s1, g1, degp, b1, W2):
  return pl.pallas_call(
      _mm2_body,
      grid=(GRID,),
      in_specs=[_pair_spec(128), _row_spec(128), _degp_spec,
                _full((1, 128)), _full((128, 64))],
      out_specs=_row_spec(128),
      out_shape=jax.ShapeDtypeStruct((NPAD, 128), jnp.float32),
  )(s1, g1, degp, b1, W2)


def _fin_call(s2, g2, degp, b2):
  return pl.pallas_call(
      _fin_body,
      grid=(GRID,),
      in_specs=[_pair_spec(128), _row_spec(128), _degp_spec, _full((1, 64))],
      out_specs=_row_spec(64),
      out_shape=jax.ShapeDtypeStruct((N, 64), jnp.float32),
  )(s2, g2, degp, b2)


@jax.jit
def kernel(x, edge_index, W1, b1, W2, b2):
  ei = edge_index.astype(jnp.int32)
  pad_iota = N + jnp.arange(EPAD - E, dtype=jnp.int32) % (NPAD - N)
  pad_src = pad_iota
  pad_dst = pad_iota
  src = jnp.concatenate([ei[0], pad_src]).reshape(EPAD // C, C)
  dst = jnp.concatenate([ei[1], pad_dst]).reshape(EPAD // C, C)
  xp = jnp.pad(x, ((0, NPAD - N), (0, 0)))
  zeros128 = jnp.zeros((NPAD, 128), jnp.float32)
  ones = jnp.ones((C, DEGW), jnp.float32)

  degp = _deg_kernel(dst, zeros128, ones)
  g1 = _mm1_call(xp, W1, degp)
  s1 = _edge_scatter(g1, src, dst, zeros128)
  g2 = _mm2_call(s1, g1, degp, b1.reshape(1, -1), W2)
  s2 = _edge_scatter(g2, src, dst, zeros128)
  return _fin_call(s2, g2, degp, b2.reshape(1, -1))

# --- scband reference (transcript-rebuilt; emitter-appended) ---
"""Pipeline reference for scband-gcn-6605659701280 (READ-ONLY COPY).

The authoritative reference and input builder live on the scoring server;
editing this copy changes nothing except your own understanding.
"""

import jax, jax.numpy as jnp
import numpy as np

N_NODES = 10000
IN_CH = 128
HID_CH = 128
OUT_CH = 64
N_EDGES = 320000


def setup_inputs(seed: int = 0) -> dict:
    key = jax.random.key(seed)
    k1, k2, k3, k4, k5, k6 = jax.random.split(key, 6)
    x = jax.random.normal(k1, (N_NODES, IN_CH), dtype=jnp.float32)
    edge_index = jax.random.randint(k2, (2, N_EDGES), 0, N_NODES, dtype=jnp.int64)
    # Glorot-initialized weights, zero biases (matches PyG GCNConv defaults)
    s1 = float(np.sqrt(6.0 / (IN_CH + HID_CH)))
    s2 = float(np.sqrt(6.0 / (HID_CH + OUT_CH)))
    W1 = jax.random.uniform(k3, (IN_CH, HID_CH), dtype=jnp.float32, minval=-s1, maxval=s1)
    b1 = jnp.zeros((HID_CH,), dtype=jnp.float32)
    W2 = jax.random.uniform(k4, (HID_CH, OUT_CH), dtype=jnp.float32, minval=-s2, maxval=s2)
    b2 = jnp.zeros((OUT_CH,), dtype=jnp.float32)
    return {"x": x, "edge_index": edge_index, "W1": W1, "b1": b1, "W2": W2, "b2": b2}


def _gcn_conv(x, src, dst, W, b, n_nodes):
    # x' = D^{-1/2} (A + I) D^{-1/2} X W + b  (self-loops already appended to src/dst)
    h = x @ W
    ones = jnp.ones((src.shape[0],), dtype=x.dtype)
    deg = jnp.zeros((n_nodes,), dtype=x.dtype).at[dst].add(ones)
    deg_inv_sqrt = jnp.where(deg > 0, jax.lax.rsqrt(jnp.maximum(deg, 1e-12)), 0.0)
    norm = deg_inv_sqrt[src] * deg_inv_sqrt[dst]
    msg = norm[:, None] * jnp.take(h, src, axis=0)
    out = jnp.zeros((n_nodes, h.shape[1]), dtype=x.dtype).at[dst].add(msg)
    return out + b


def reference(x, edge_index, W1, b1, W2, b2):
    n_nodes = x.shape[0]
    loop = jnp.arange(n_nodes, dtype=edge_index.dtype)
    src = jnp.concatenate([edge_index[0], loop])
    dst = jnp.concatenate([edge_index[1], loop])
    h = _gcn_conv(x, src, dst, W1, b1, n_nodes)
    h = jax.nn.relu(h)
    # dropout p=0.5 is identity in eval mode (training=False)
    h = _gcn_conv(h, src, dst, W2, b2, n_nodes)
    return jax.nn.log_softmax(h, axis=1)

if __name__ == "__main__":
    import jax
    _d = setup_inputs()
    print(jax.jit(kernel)(*tuple(_d.values())))

</pallas_src>

<mosaic_0001>
#map = affine_map<(d0, d1) -> (0, 0)>
#map1 = affine_map<(d0, d1) -> (0, 0, 0)>
module attributes {stable_mosaic.version = 14 : i64} {
  func.func @_deg_kernel(%arg0: i32, %arg1: i32, %arg2: memref<2560x128xi32, #tpu.memory_space<hbm>>, %arg3: memref<10240x128xf32, #tpu.memory_space<hbm>>, %arg4: memref<128x128xf32, #tpu.memory_space<hbm>>, %arg5: memref<2x10240x128xf32, #tpu.memory_space<hbm>>, %arg6: memref<80x128xi32, #tpu.memory_space<vmem>>, %arg7: memref<128x128xf32, #tpu.memory_space<vmem>>, %arg8: memref<10240x128xf32, #tpu.memory_space<vmem_shared>>, %arg9: memref<!tpu.dma_semaphore, #tpu.memory_space<semaphore_mem>>) attributes {dimension_semantics = [#tpu.dimension_semantics<core_parallel>, #tpu.dimension_semantics<subcore_parallel>], iteration_bounds = array<i64: 2, 16>, scalar_prefetch = 0 : i64, scratch_operands = 4 : i64, tpu.core_type = #tpu.core_type<sc_vector_subcore>, window_params = [{transform_indices = #map}, {transform_indices = #map}, {transform_indices = #map}, {transform_indices = #map1}]} {
    %mul3A = arith.constant 2 : i32
    %mul3A_0 = arith.muli %arg1, %mul3A : i32
    %add3A = arith.addi %mul3A_0, %arg0 : i32
    %mul3A_1 = arith.constant 640 : i32
    %mul3A_2 = arith.muli %arg1, %mul3A_1 : i32
    %mul3A_3 = arith.constant 80 : i32
    %mul3A_4 = arith.muli %add3A, %mul3A_3 : i32
    "tpu.region"() ({
      %run_scoped3A = tpu.sem_alloc : memref<!tpu.dma_semaphore, #tpu.memory_space<semaphore_mem>>
      %dma_start3A = arith.constant 0 : i32
      %dma_start3A_11 = tpu.memref_slice %arg2[%mul3A_4, %dma_start3A] : memref<2560x128xi32, #tpu.memory_space<hbm>> -> memref<80x128xi32, #tpu.memory_space<hbm>>
      %dma_start3A_12 = arith.constant 0 : i32
      %dma_start3A_13 = tpu.memref_slice %arg2[%mul3A_4, %dma_start3A_12] : memref<2560x128xi32, #tpu.memory_space<hbm>> -> memref<80x128xi32, #tpu.memory_space<hbm>>
      tpu.enqueue_dma source(%dma_start3A_13 : memref<80x128xi32, #tpu.memory_space<hbm>>) target(%arg6 : memref<80x128xi32, #tpu.memory_space<vmem>>) target_semaphore(%run_scoped3A : memref<!tpu.dma_semaphore, #tpu.memory_space<semaphore_mem>>)
      %dma_wait3A = arith.constant 0 : i32
      %dma_wait3A_14 = tpu.memref_slice %arg2[%mul3A_4, %dma_wait3A] : memref<2560x128xi32, #tpu.memory_space<hbm>> -> memref<80x128xi32, #tpu.memory_space<hbm>>
      %dma_wait3A_15 = arith.constant 0 : i32
      %dma_wait3A_16 = tpu.memref_slice %arg2[%mul3A_4, %dma_wait3A_15] : memref<2560x128xi32, #tpu.memory_space<hbm>> -> memref<80x128xi32, #tpu.memory_space<hbm>>
      tpu.wait_dma2 semaphore(%run_scoped3A : memref<!tpu.dma_semaphore, #tpu.memory_space<semaphore_mem>>) src(%dma_wait3A_16 : memref<80x128xi32, #tpu.memory_space<hbm>>) dst(%arg6 : memref<80x128xi32, #tpu.memory_space<vmem>>)
      tpu.yield
    }) : () -> ()
    "tpu.region"() ({
      %run_scoped3A = tpu.sem_alloc : memref<!tpu.dma_semaphore, #tpu.memory_space<semaphore_mem>>
      tpu.enqueue_dma source(%arg4 : memref<128x128xf32, #tpu.memory_space<hbm>>) target(%arg7 : memref<128x128xf32, #tpu.memory_space<vmem>>) target_semaphore(%run_scoped3A : memref<!tpu.dma_semaphore, #tpu.memory_space<semaphore_mem>>)
      tpu.wait_dma2 semaphore(%run_scoped3A : memref<!tpu.dma_semaphore, #tpu.memory_space<semaphore_mem>>) src(%arg4 : memref<128x128xf32, #tpu.memory_space<hbm>>) dst(%arg7 : memref<128x128xf32, #tpu.memory_space<vmem>>)
      tpu.yield
    }) : () -> ()
    "tpu.region"() ({
      %run_scoped3A = tpu.sem_alloc : memref<!tpu.dma_semaphore, #tpu.memory_space<semaphore_mem>>
      %dma_start3A = arith.constant 0 : i32
      %dma_start3A_11 = tpu.memref_slice %arg8[%mul3A_2, %dma_start3A] : memref<10240x128xf32, #tpu.memory_space<vmem_shared>> -> memref<640x128xf32, #tpu.memory_space<vmem_shared>>
      %dma_start3A_12 = arith.constant 0 : i32
      %dma_start3A_13 = tpu.memref_slice %arg3[%mul3A_2, %dma_start3A_12] : memref<10240x128xf32, #tpu.memory_space<hbm>> -> memref<640x128xf32, #tpu.memory_space<hbm>>
      tpu.enqueue_dma source(%dma_start3A_13 : memref<640x128xf32, #tpu.memory_space<hbm>>) target(%dma_start3A_11 : memref<640x128xf32, #tpu.memory_space<vmem_shared>>) target_semaphore(%run_scoped3A : memref<!tpu.dma_semaphore, #tpu.memory_space<semaphore_mem>>)
      %dma_wait3A = arith.constant 0 : i32
      %dma_wait3A_14 = tpu.memref_slice %arg8[%mul3A_2, %dma_wait3A] : memref<10240x128xf32, #tpu.memory_space<vmem_shared>> -> memref<640x128xf32, #tpu.memory_space<vmem_shared>>
      %dma_wait3A_15 = arith.constant 0 : i32
      %dma_wait3A_16 = tpu.memref_slice %arg3[%mul3A_2, %dma_wait3A_15] : memref<10240x128xf32, #tpu.memory_space<hbm>> -> memref<640x128xf32, #tpu.memory_space<hbm>>
      tpu.wait_dma2 semaphore(%run_scoped3A : memref<!tpu.dma_semaphore, #tpu.memory_space<semaphore_mem>>) src(%dma_wait3A_16 : memref<640x128xf32, #tpu.memory_space<hbm>>) dst(%dma_wait3A_14 : memref<640x128xf32, #tpu.memory_space<vmem_shared>>)
      tpu.yield
    }) : () -> ()
    %barrier3A = arith.constant 0 : index
    tpu.barrier barrier_id(%barrier3A)
    %scan3A = arith.constant 0 : i32
    %scan3A_5 = arith.constant 0 : i32
    %scan3A_6 = arith.constant 20 : i32
    %scan3A_7 = arith.addi %scan3A_5, %scan3A_6 : i32
    %scan3A_8 = arith.constant 1 : i32
    scf.for %scan3A_11 = %scan3A_5 to %scan3A_7 step %scan3A_8  : i32 {
      %mul3A_12 = arith.constant 4 : i32
      %mul3A_13 = arith.muli %scan3A_11, %mul3A_12 : i32
      %add3A_14 = arith.constant 0 : i32
      %add3A_15 = arith.addi %mul3A_13, %add3A_14 : i32
      %dma_start3A = arith.constant 0 : i32
      %dma_start3A_16 = tpu.memref_slice %arg6[%add3A_15, %dma_start3A] : memref<80x128xi32, #tpu.memory_space<vmem>> -> memref<1x128xi32, #tpu.memory_space<vmem>>
      %dma_start3A_17 = tpu.memref_squeeze %dma_start3A_16 : memref<1x128xi32, #tpu.memory_space<vmem>> -> memref<128xi32, #tpu.memory_space<vmem>>
      %dma_start3A_18 = arith.constant 0 : i32
      %dma_start3A_19 = arith.constant 0 : i32
      %dma_start3A_20 = tpu.memref_slice %arg8[%dma_start3A_18, %dma_start3A_19] : memref<10240x128xf32, #tpu.memory_space<vmem_shared>> -> memref<10240x128xf32, #tpu.memory_space<vmem_shared>>
      tpu.enqueue_indirect_dma source(%arg7 : memref<128x128xf32, #tpu.memory_space<vmem>>) target(%dma_start3A_20 : memref<10240x128xf32, #tpu.memory_space<vmem_shared>>) offsets(%dma_start3A_17 : memref<128xi32, #tpu.memory_space<vmem>>) semaphore(%arg9 : memref<!tpu.dma_semaphore, #tpu.memory_space<semaphore_mem>>) {add = true}
      %mul3A_21 = arith.constant 4 : i32
      %mul3A_22 = arith.muli %scan3A_11, %mul3A_21 : i32
      %add3A_23 = arith.constant 1 : i32
      %add3A_24 = arith.addi %mul3A_22, %add3A_23 : i32
      %dma_start3A_25 = arith.constant 0 : i32
      %dma_start3A_26 = tpu.memref_slice %arg6[%add3A_24, %dma_start3A_25] : memref<80x128xi32, #tpu.memory_space<vmem>> -> memref<1x128xi32, #tpu.memory_space<vmem>>
      %dma_start3A_27 = tpu.memref_squeeze %dma_start3A_26 : memref<1x128xi32, #tpu.memory_space<vmem>> -> memref<128xi32, #tpu.memory_space<vmem>>
      %dma_start3A_28 = arith.constant 0 : i32
      %dma_start3A_29 = arith.constant 0 : i32
      %dma_start3A_30 = tpu.memref_slice %arg8[%dma_start3A_28, %dma_start3A_29] : memref<10240x128xf32, #tpu.memory_space<vmem_shared>> -> memref<10240x128xf32, #tpu.memory_space<vmem_shared>>
      tpu.enqueue_indirect_dma source(%arg7 : memref<128x128xf32, #tpu.memory_space<vmem>>) target(%dma_start3A_30 : memref<10240x128xf32, #tpu.memory_space<vmem_shared>>) offsets(%dma_start3A_27 : memref<128xi32, #tpu.memory_space<vmem>>) semaphore(%arg9 : memref<!tpu.dma_semaphore, #tpu.memory_space<semaphore_mem>>) {add = true}
      %mul3A_31 = arith.constant 4 : i32
      %mul3A_32 = arith.muli %scan3A_11, %mul3A_31 : i32
      %add3A_33 = arith.constant 2 : i32
      %add3A_34 = arith.addi %mul3A_32, %add3A_33 : i32
      %dma_start3A_35 = arith.constant 0 : i32
      %dma_start3A_36 = tpu.memref_slice %arg6[%add3A_34, %dma_start3A_35] : memref<80x128xi32, #tpu.memory_space<vmem>> -> memref<1x128xi32, #tpu.memory_space<vmem>>
      %dma_start3A_37 = tpu.memref_squeeze %dma_start3A_36 : memref<1x128xi32, #tpu.memory_space<vmem>> -> memref<128xi32, #tpu.memory_space<vmem>>
      %dma_start3A_38 = arith.constant 0 : i32
      %dma_start3A_39 = arith.constant 0 : i32
      %dma_start3A_40 = tpu.memref_slice %arg8[%dma_start3A_38, %dma_start3A_39] : memref<10240x128xf32, #tpu.memory_space<vmem_shared>> -> memref<10240x128xf32, #tpu.memory_space<vmem_shared>>
      tpu.enqueue_indirect_dma source(%arg7 : memref<128x128xf32, #tpu.memory_space<vmem>>) target(%dma_start3A_40 : memref<10240x128xf32, #tpu.memory_space<vmem_shared>>) offsets(%dma_start3A_37 : memref<128xi32, #tpu.memory_space<vmem>>) semaphore(%arg9 : memref<!tpu.dma_semaphore, #tpu.memory_space<semaphore_mem>>) {add = true}
      %mul3A_41 = arith.constant 4 : i32
      %mul3A_42 = arith.muli %scan3A_11, %mul3A_41 : i32
      %add3A_43 = arith.constant 3 : i32
      %add3A_44 = arith.addi %mul3A_42, %add3A_43 : i32
      %dma_start3A_45 = arith.constant 0 : i32
      %dma_start3A_46 = tpu.memref_slice %arg6[%add3A_44, %dma_start3A_45] : memref<80x128xi32, #tpu.memory_space<vmem>> -> memref<1x128xi32, #tpu.memory_space<vmem>>
      %dma_start3A_47 = tpu.memref_squeeze %dma_start3A_46 : memref<1x128xi32, #tpu.memory_space<vmem>> -> memref<128xi32, #tpu.memory_space<vmem>>
      %dma_start3A_48 = arith.constant 0 : i32
      %dma_start3A_49 = arith.constant 0 : i32
      %dma_start3A_50 = tpu.memref_slice %arg8[%dma_start3A_48, %dma_start3A_49] : memref<10240x128xf32, #tpu.memory_space<vmem_shared>> -> memref<10240x128xf32, #tpu.memory_space<vmem_shared>>
      tpu.enqueue_indirect_dma source(%arg7 : memref<128x128xf32, #tpu.memory_space<vmem>>) target(%dma_start3A_50 : memref<10240x128xf32, #tpu.memory_space<vmem_shared>>) offsets(%dma_start3A_47 : memref<128xi32, #tpu.memory_space<vmem>>) semaphore(%arg9 : memref<!tpu.dma_semaphore, #tpu.memory_space<semaphore_mem>>) {add = true}
      %mul3A_51 = arith.constant 4 : i32
      %mul3A_52 = arith.muli %scan3A_11, %mul3A_51 : i32
      %add3A_53 = arith.constant 0 : i32
      %add3A_54 = arith.addi %mul3A_52, %add3A_53 : i32
      %dma_wait3A = arith.constant 0 : i32
      %dma_wait3A_55 = tpu.memref_slice %arg6[%add3A_54, %dma_wait3A] : memref<80x128xi32, #tpu.memory_space<vmem>> -> memref<1x128xi32, #tpu.memory_space<vmem>>
      %dma_wait3A_56 = tpu.memref_squeeze %dma_wait3A_55 : memref<1x128xi32, #tpu.memory_space<vmem>> -> memref<128xi32, #tpu.memory_space<vmem>>
      %dma_wait3A_57 = arith.constant 0 : i32
      %dma_wait3A_58 = arith.constant 0 : i32
      %dma_wait3A_59 = tpu.memref_slice %arg8[%dma_wait3A_57, %dma_wait3A_58] : memref<10240x128xf32, #tpu.memory_space<vmem_shared>> -> memref<10240x128xf32, #tpu.memory_space<vmem_shared>>
      tpu.wait_indirect_dma semaphore(%arg9 : memref<!tpu.dma_semaphore, #tpu.memory_space<semaphore_mem>>) src(%arg7 : memref<128x128xf32, #tpu.memory_space<vmem>>) dst(%dma_wait3A_59 : memref<10240x128xf32, #tpu.memory_space<vmem_shared>>)
      %mul3A_60 = arith.constant 4 : i32
      %mul3A_61 = arith.muli %scan3A_11, %mul3A_60 : i32
      %add3A_62 = arith.constant 1 : i32
      %add3A_63 = arith.addi %mul3A_61, %add3A_62 : i32
      %dma_wait3A_64 = arith.constant 0 : i32
      %dma_wait3A_65 = tpu.memref_slice %arg6[%add3A_63, %dma_wait3A_64] : memref<80x128xi32, #tpu.memory_space<vmem>> -> memref<1x128xi32, #tpu.memory_space<vmem>>
      %dma_wait3A_66 = tpu.memref_squeeze %dma_wait3A_65 : memref<1x128xi32, #tpu.memory_space<vmem>> -> memref<128xi32, #tpu.memory_space<vmem>>
      %dma_wait3A_67 = arith.constant 0 : i32
      %dma_wait3A_68 = arith.constant 0 : i32
      %dma_wait3A_69 = tpu.memref_slice %arg8[%dma_wait3A_67, %dma_wait3A_68] : memref<10240x128xf32, #tpu.memory_space<vmem_shared>> -> memref<10240x128xf32, #tpu.memory_space<vmem_shared>>
      tpu.wait_indirect_dma semaphore(%arg9 : memref<!tpu.dma_semaphore, #tpu.memory_space<semaphore_mem>>) src(%arg7 : memref<128x128xf32, #tpu.memory_space<vmem>>) dst(%dma_wait3A_69 : memref<10240x128xf32, #tpu.memory_space<vmem_shared>>)
      %mul3A_70 = arith.constant 4 : i32
      %mul3A_71 = arith.muli %scan3A_11, %mul3A_70 : i32
      %add3A_72 = arith.constant 2 : i32
      %add3A_73 = arith.addi %mul3A_71, %add3A_72 : i32
      %dma_wait3A_74 = arith.constant 0 : i32
      %dma_wait3A_75 = tpu.memref_slice %arg6[%add3A_73, %dma_wait3A_74] : memref<80x128xi32, #tpu.memory_space<vmem>> -> memref<1x128xi32, #tpu.memory_space<vmem>>
      %dma_wait3A_76 = tpu.memref_squeeze %dma_wait3A_75 : memref<1x128xi32, #tpu.memory_space<vmem>> -> memref<128xi32, #tpu.memory_space<vmem>>
      %dma_wait3A_77 = arith.constant 0 : i32
      %dma_wait3A_78 = arith.constant 0 : i32
      %dma_wait3A_79 = tpu.memref_slice %arg8[%dma_wait3A_77, %dma_wait3A_78] : memref<10240x128xf32, #tpu.memory_space<vmem_shared>> -> memref<10240x128xf32, #tpu.memory_space<vmem_shared>>
      tpu.wait_indirect_dma semaphore(%arg9 : memref<!tpu.dma_semaphore, #tpu.memory_space<semaphore_mem>>) src(%arg7 : memref<128x128xf32, #tpu.memory_space<vmem>>) dst(%dma_wait3A_79 : memref<10240x128xf32, #tpu.memory_space<vmem_shared>>)
      %mul3A_80 = arith.constant 4 : i32
      %mul3A_81 = arith.muli %scan3A_11, %mul3A_80 : i32
      %add3A_82 = arith.constant 3 : i32
      %add3A_83 = arith.addi %mul3A_81, %add3A_82 : i32
      %dma_wait3A_84 = arith.constant 0 : i32
      %dma_wait3A_85 = tpu.memref_slice %arg6[%add3A_83, %dma_wait3A_84] : memref<80x128xi32, #tpu.memory_space<vmem>> -> memref<1x128xi32, #tpu.memory_space<vmem>>
      %dma_wait3A_86 = tpu.memref_squeeze %dma_wait3A_85 : memref<1x128xi32, #tpu.memory_space<vmem>> -> memref<128xi32, #tpu.memory_space<vmem>>
      %dma_wait3A_87 = arith.constant 0 : i32
      %dma_wait3A_88 = arith.constant 0 : i32
      %dma_wait3A_89 = tpu.memref_slice %arg8[%dma_wait3A_87, %dma_wait3A_88] : memref<10240x128xf32, #tpu.memory_space<vmem_shared>> -> memref<10240x128xf32, #tpu.memory_space<vmem_shared>>
      tpu.wait_indirect_dma semaphore(%arg9 : memref<!tpu.dma_semaphore, #tpu.memory_space<semaphore_mem>>) src(%arg7 : memref<128x128xf32, #tpu.memory_space<vmem>>) dst(%dma_wait3A_89 : memref<10240x128xf32, #tpu.memory_space<vmem_shared>>)
    }
    %scan3A_9 = arith.constant 20 : i32
    %barrier3A_10 = arith.constant 0 : index
    tpu.barrier barrier_id(%barrier3A_10)
    "tpu.region"() ({
      %run_scoped3A = tpu.sem_alloc : memref<!tpu.dma_semaphore, #tpu.memory_space<semaphore_mem>>
      %dma_start3A = arith.constant 0 : i32
      %dma_start3A_11 = arith.constant 0 : i32
      %dma_start3A_12 = tpu.memref_slice %arg5[%arg0, %dma_start3A, %dma_start3A_11] : memref<2x10240x128xf32, #tpu.memory_space<hbm>> -> memref<1x10240x128xf32, #tpu.memory_space<hbm>>
      %dma_start3A_13 = tpu.memref_squeeze %dma_start3A_12 : memref<1x10240x128xf32, #tpu.memory_space<hbm>> -> memref<10240x128xf32, #tpu.memory_space<hbm>>
      %dma_start3A_14 = arith.constant 0 : i32
      %dma_start3A_15 = tpu.memref_slice %dma_start3A_13[%mul3A_2, %dma_start3A_14] : memref<10240x128xf32, #tpu.memory_space<hbm>> -> memref<640x128xf32, #tpu.memory_space<hbm>>
      %dma_start3A_16 = arith.constant 0 : i32
      %dma_start3A_17 = tpu.memref_slice %arg8[%mul3A_2, %dma_start3A_16] : memref<10240x128xf32, #tpu.memory_space<vmem_shared>> -> memref<640x128xf32, #tpu.memory_space<vmem_shared>>
      tpu.enqueue_dma source(%dma_start3A_17 : memref<640x128xf32, #tpu.memory_space<vmem_shared>>) target(%dma_start3A_15 : memref<640x128xf32, #tpu.memory_space<hbm>>) target_semaphore(%run_scoped3A : memref<!tpu.dma_semaphore, #tpu.memory_space<semaphore_mem>>)
      %dma_wait3A = arith.constant 0 : i32
      %dma_wait3A_18 = arith.constant 0 : i32
      %dma_wait3A_19 = tpu.memref_slice %arg5[%arg0, %dma_wait3A, %dma_wait3A_18] : memref<2x10240x128xf32, #tpu.memory_space<hbm>> -> memref<1x10240x128xf32, #tpu.memory_space<hbm>>
      %dma_wait3A_20 = tpu.memref_squeeze %dma_wait3A_19 : memref<1x10240x128xf32, #tpu.memory_space<hbm>> -> memref<10240x128xf32, #tpu.memory_space<hbm>>
      %dma_wait3A_21 = arith.constant 0 : i32
      %dma_wait3A_22 = tpu.memref_slice %dma_wait3A_20[%mul3A_2, %dma_wait3A_21] : memref<10240x128xf32, #tpu.memory_space<hbm>> -> memref<640x128xf32, #tpu.memory_space<hbm>>
      %dma_wait3A_23 = arith.constant 0 : i32
      %dma_wait3A_24 = tpu.memref_slice %arg8[%mul3A_2, %dma_wait3A_23] : memref<10240x128xf32, #tpu.memory_space<vmem_shared>> -> memref<640x128xf32, #tpu.memory_space<vmem_shared>>
      tpu.wait_dma2 semaphore(%run_scoped3A : memref<!tpu.dma_semaphore, #tpu.memory_space<semaphore_mem>>) src(%dma_wait3A_24 : memref<640x128xf32, #tpu.memory_space<vmem_shared>>) dst(%dma_wait3A_22 : memref<640x128xf32, #tpu.memory_space<hbm>>)
      tpu.yield
    }) : () -> ()
    return
  }
}

#map = affine_map<(d0, d1) -> (0, 0)>
#map1 = affine_map<(d0, d1) -> (0, 0, 0)>
module attributes {stable_mosaic.version = 14 : i64} {
  func.func @_edge_scatter(%arg0: i32, %arg1: i32, %arg2: memref<10240x128xf32, #tpu.memory_space<hbm>>, %arg3: memref<2560x128xi32, #tpu.memory_space<hbm>>, %arg4: memref<2560x128xi32, #tpu.memory_space<hbm>>, %arg5: memref<10240x128xf32, #tpu.memory_space<hbm>>, %arg6: memref<2x10240x128xf32, #tpu.memory_space<hbm>>, %arg7: memref<40x128xi32, #tpu.memory_space<vmem>>, %arg8: memref<40x128xi32, #tpu.memory_space<vmem>>, %arg9: memref<128x128xf32, #tpu.memory_space<vmem>>, %arg10: memref<128x128xf32, #tpu.memory_space<vmem>>, %arg11: memref<10240x128xf32, #tpu.memory_space<vmem_shared>>, %arg12: memref<!tpu.dma_semaphore, #tpu.memory_space<semaphore_mem>>, %arg13: memref<!tpu.dma_semaphore, #tpu.memory_space<semaphore_mem>>) attributes {dimension_semantics = [#tpu.dimension_semantics<core_parallel>, #tpu.dimension_semantics<subcore_parallel>], iteration_bounds = array<i64: 2, 16>, scalar_prefetch = 0 : i64, scratch_operands = 7 : i64, tpu.core_type = #tpu.core_type<sc_vector_subcore>, window_params = [{transform_indices = #map}, {transform_indices = #map}, {transform_indices = #map}, {transform_indices = #map}, {transform_indices = #map1}]} {
    %mul3A = arith.constant 2 : i32
    %mul3A_0 = arith.muli %arg1, %mul3A : i32
    %add3A = arith.addi %mul3A_0, %arg0 : i32
    %mul3A_1 = arith.constant 640 : i32
    %mul3A_2 = arith.muli %arg1, %mul3A_1 : i32
    "tpu.region"() ({
      %run_scoped3A = tpu.sem_alloc : memref<!tpu.dma_semaphore, #tpu.memory_space<semaphore_mem>>
      %dma_start3A = arith.constant 0 : i32
      %dma_start3A_31 = tpu.memref_slice %arg11[%mul3A_2, %dma_start3A] : memref<10240x128xf32, #tpu.memory_space<vmem_shared>> -> memref<640x128xf32, #tpu.memory_space<vmem_shared>>
      %dma_start3A_32 = arith.constant 0 : i32
      %dma_start3A_33 = tpu.memref_slice %arg5[%mul3A_2, %dma_start3A_32] : memref<10240x128xf32, #tpu.memory_space<hbm>> -> memref<640x128xf32, #tpu.memory_space<hbm>>
      tpu.enqueue_dma source(%dma_start3A_33 : memref<640x128xf32, #tpu.memory_space<hbm>>) target(%dma_start3A_31 : memref<640x128xf32, #tpu.memory_space<vmem_shared>>) target_semaphore(%run_scoped3A : memref<!tpu.dma_semaphore, #tpu.memory_space<semaphore_mem>>)
      %dma_wait3A = arith.constant 0 : i32
      %dma_wait3A_34 = tpu.memref_slice %arg11[%mul3A_2, %dma_wait3A] : memref<10240x128xf32, #tpu.memory_space<vmem_shared>> -> memref<640x128xf32, #tpu.memory_space<vmem_shared>>
      %dma_wait3A_35 = arith.constant 0 : i32
      %dma_wait3A_36 = tpu.memref_slice %arg5[%mul3A_2, %dma_wait3A_35] : memref<10240x128xf32, #tpu.memory_space<hbm>> -> memref<640x128xf32, #tpu.memory_space<hbm>>
      tpu.wait_dma2 semaphore(%run_scoped3A : memref<!tpu.dma_semaphore, #tpu.memory_space<semaphore_mem>>) src(%dma_wait3A_36 : memref<640x128xf32, #tpu.memory_space<hbm>>) dst(%dma_wait3A_34 : memref<640x128xf32, #tpu.memory_space<vmem_shared>>)
      tpu.yield
    }) : () -> ()
    %barrier3A = arith.constant 0 : index
    tpu.barrier barrier_id(%barrier3A)
    %mul3A_3 = arith.constant 80 : i32
    %mul3A_4 = arith.muli %add3A, %mul3A_3 : i32
    %add3A_5 = arith.constant 0 : i32
    %add3A_6 = arith.addi %mul3A_4, %add3A_5 : i32
    "tpu.region"() ({
      %run_scoped3A = tpu.sem_alloc : memref<!tpu.dma_semaphore, #tpu.memory_space<semaphore_mem>>
      %dma_start3A = arith.constant 0 : i32
      %dma_start3A_31 = tpu.memref_slice %arg3[%add3A_6, %dma_start3A] : memref<2560x128xi32, #tpu.memory_space<hbm>> -> memref<40x128xi32, #tpu.memory_space<hbm>>
      %dma_start3A_32 = arith.constant 0 : i32
      %dma_start3A_33 = tpu.memref_slice %arg3[%add3A_6, %dma_start3A_32] : memref<2560x128xi32, #tpu.memory_space<hbm>> -> memref<40x128xi32, #tpu.memory_space<hbm>>
      tpu.enqueue_dma source(%dma_start3A_33 : memref<40x128xi32, #tpu.memory_space<hbm>>) target(%arg7 : memref<40x128xi32, #tpu.memory_space<vmem>>) target_semaphore(%run_scoped3A : memref<!tpu.dma_semaphore, #tpu.memory_space<semaphore_mem>>)
      %dma_wait3A = arith.constant 0 : i32
      %dma_wait3A_34 = tpu.memref_slice %arg3[%add3A_6, %dma_wait3A] : memref<2560x128xi32, #tpu.memory_space<hbm>> -> memref<40x128xi32, #tpu.memory_space<hbm>>
      %dma_wait3A_35 = arith.constant 0 : i32
      %dma_wait3A_36 = tpu.memref_slice %arg3[%add3A_6, %dma_wait3A_35] : memref<2560x128xi32, #tpu.memory_space<hbm>> -> memref<40x128xi32, #tpu.memory_space<hbm>>
      tpu.wait_dma2 semaphore(%run_scoped3A : memref<!tpu.dma_semaphore, #tpu.memory_space<semaphore_mem>>) src(%dma_wait3A_36 : memref<40x128xi32, #tpu.memory_space<hbm>>) dst(%arg7 : memref<40x128xi32, #tpu.memory_space<vmem>>)
      tpu.yield
    }) : () -> ()
    %mul3A_7 = arith.constant 80 : i32
    %mul3A_8 = arith.muli %add3A, %mul3A_7 : i32
    %add3A_9 = arith.constant 0 : i32
    %add3A_10 = arith.addi %mul3A_8, %add3A_9 : i32
    "tpu.region"() ({
      %run_scoped3A = tpu.sem_alloc : memref<!tpu.dma_semaphore, #tpu.memory_space<semaphore_mem>>
      %dma_start3A = arith.constant 0 : i32
      %dma_start3A_31 = tpu.memref_slice %arg4[%add3A_10, %dma_start3A] : memref<2560x128xi32, #tpu.memory_space<hbm>> -> memref<40x128xi32, #tpu.memory_space<hbm>>
      %dma_start3A_32 = arith.constant 0 : i32
      %dma_start3A_33 = tpu.memref_slice %arg4[%add3A_10, %dma_start3A_32] : memref<2560x128xi32, #tpu.memory_space<hbm>> -> memref<40x128xi32, #tpu.memory_space<hbm>>
      tpu.enqueue_dma source(%dma_start3A_33 : memref<40x128xi32, #tpu.memory_space<hbm>>) target(%arg8 : memref<40x128xi32, #tpu.memory_space<vmem>>) target_semaphore(%run_scoped3A : memref<!tpu.dma_semaphore, #tpu.memory_space<semaphore_mem>>)
      %dma_wait3A = arith.constant 0 : i32
      %dma_wait3A_34 = tpu.memref_slice %arg4[%add3A_10, %dma_wait3A] : memref<2560x128xi32, #tpu.memory_space<hbm>> -> memref<40x128xi32, #tpu.memory_space<hbm>>
      %dma_wait3A_35 = arith.constant 0 : i32
      %dma_wait3A_36 = tpu.memref_slice %arg4[%add3A_10, %dma_wait3A_35] : memref<2560x128xi32, #tpu.memory_space<hbm>> -> memref<40x128xi32, #tpu.memory_space<hbm>>
      tpu.wait_dma2 semaphore(%run_scoped3A : memref<!tpu.dma_semaphore, #tpu.memory_space<semaphore_mem>>) src(%dma_wait3A_36 : memref<40x128xi32, #tpu.memory_space<hbm>>) dst(%arg8 : memref<40x128xi32, #tpu.memory_space<vmem>>)
      tpu.yield
    }) : () -> ()
    %scan3A = arith.constant 0 : i32
    %scan3A_11 = arith.constant 0 : i32
    %scan3A_12 = arith.constant 20 : i32
    %scan3A_13 = arith.addi %scan3A_11, %scan3A_12 : i32
    %scan3A_14 = arith.constant 1 : i32
    scf.for %scan3A_31 = %scan3A_11 to %scan3A_13 step %scan3A_14  : i32 {
      %mul3A_32 = arith.constant 2 : i32
      %mul3A_33 = arith.muli %scan3A_31, %mul3A_32 : i32
      %add3A_34 = arith.constant 0 : i32
      %add3A_35 = arith.addi %mul3A_33, %add3A_34 : i32
      %dma_start3A = arith.constant 0 : i32
      %dma_start3A_36 = tpu.memref_slice %arg7[%add3A_35, %dma_start3A] : memref<40x128xi32, #tpu.memory_space<vmem>> -> memref<1x128xi32, #tpu.memory_space<vmem>>
      %dma_start3A_37 = tpu.memref_squeeze %dma_start3A_36 : memref<1x128xi32, #tpu.memory_space<vmem>> -> memref<128xi32, #tpu.memory_space<vmem>>
      %dma_start3A_38 = arith.constant 0 : i32
      %dma_start3A_39 = arith.constant 0 : i32
      %dma_start3A_40 = tpu.memref_slice %arg2[%dma_start3A_38, %dma_start3A_39] : memref<10240x128xf32, #tpu.memory_space<hbm>> -> memref<10240x128xf32, #tpu.memory_space<hbm>>
      tpu.enqueue_indirect_dma source(%dma_start3A_40 : memref<10240x128xf32, #tpu.memory_space<hbm>>) target(%arg9 : memref<128x128xf32, #tpu.memory_space<vmem>>) offsets(%dma_start3A_37 : memref<128xi32, #tpu.memory_space<vmem>>) semaphore(%arg12 : memref<!tpu.dma_semaphore, #tpu.memory_space<semaphore_mem>>)
      %mul3A_41 = arith.constant 2 : i32
      %mul3A_42 = arith.muli %scan3A_31, %mul3A_41 : i32
      %add3A_43 = arith.constant 1 : i32
      %add3A_44 = arith.addi %mul3A_42, %add3A_43 : i32
      %dma_start3A_45 = arith.constant 0 : i32
      %dma_start3A_46 = tpu.memref_slice %arg7[%add3A_44, %dma_start3A_45] : memref<40x128xi32, #tpu.memory_space<vmem>> -> memref<1x128xi32, #tpu.memory_space<vmem>>
      %dma_start3A_47 = tpu.memref_squeeze %dma_start3A_46 : memref<1x128xi32, #tpu.memory_space<vmem>> -> memref<128xi32, #tpu.memory_space<vmem>>
      %dma_start3A_48 = arith.constant 0 : i32
      %dma_start3A_49 = arith.constant 0 : i32
      %dma_start3A_50 = tpu.memref_slice %arg2[%dma_start3A_48, %dma_start3A_49] : memref<10240x128xf32, #tpu.memory_space<hbm>> -> memref<10240x128xf32, #tpu.memory_space<hbm>>
      tpu.enqueue_indirect_dma source(%dma_start3A_50 : memref<10240x128xf32, #tpu.memory_space<hbm>>) target(%arg10 : memref<128x128xf32, #tpu.memory_space<vmem>>) offsets(%dma_start3A_47 : memref<128xi32, #tpu.memory_space<vmem>>) semaphore(%arg12 : memref<!tpu.dma_semaphore, #tpu.memory_space<semaphore_mem>>)
      %mul3A_51 = arith.constant 2 : i32
      %mul3A_52 = arith.muli %scan3A_31, %mul3A_51 : i32
      %add3A_53 = arith.constant 0 : i32
      %add3A_54 = arith.addi %mul3A_52, %add3A_53 : i32
      %dma_wait3A = arith.constant 0 : i32
      %dma_wait3A_55 = tpu.memref_slice %arg7[%add3A_54, %dma_wait3A] : memref<40x128xi32, #tpu.memory_space<vmem>> -> memref<1x128xi32, #tpu.memory_space<vmem>>
      %dma_wait3A_56 = tpu.memref_squeeze %dma_wait3A_55 : memref<1x128xi32, #tpu.memory_space<vmem>> -> memref<128xi32, #tpu.memory_space<vmem>>
      %dma_wait3A_57 = arith.constant 0 : i32
      %dma_wait3A_58 = arith.constant 0 : i32
      %dma_wait3A_59 = tpu.memref_slice %arg2[%dma_wait3A_57, %dma_wait3A_58] : memref<10240x128xf32, #tpu.memory_space<hbm>> -> memref<10240x128xf32, #tpu.memory_space<hbm>>
      tpu.wait_indirect_dma semaphore(%arg12 : memref<!tpu.dma_semaphore, #tpu.memory_space<semaphore_mem>>) src(%dma_wait3A_59 : memref<10240x128xf32, #tpu.memory_space<hbm>>) dst(%arg9 : memref<128x128xf32, #tpu.memory_space<vmem>>)
      %mul3A_60 = arith.constant 2 : i32
      %mul3A_61 = arith.muli %scan3A_31, %mul3A_60 : i32
      %add3A_62 = arith.constant 1 : i32
      %add3A_63 = arith.addi %mul3A_61, %add3A_62 : i32
      %dma_wait3A_64 = arith.constant 0 : i32
      %dma_wait3A_65 = tpu.memref_slice %arg7[%add3A_63, %dma_wait3A_64] : memref<40x128xi32, #tpu.memory_space<vmem>> -> memref<1x128xi32, #tpu.memory_space<vmem>>
      %dma_wait3A_66 = tpu.memref_squeeze %dma_wait3A_65 : memref<1x128xi32, #tpu.memory_space<vmem>> -> memref<128xi32, #tpu.memory_space<vmem>>
      %dma_wait3A_67 = arith.constant 0 : i32
      %dma_wait3A_68 = arith.constant 0 : i32
      %dma_wait3A_69 = tpu.memref_slice %arg2[%dma_wait3A_67, %dma_wait3A_68] : memref<10240x128xf32, #tpu.memory_space<hbm>> -> memref<10240x128xf32, #tpu.memory_space<hbm>>
      tpu.wait_indirect_dma semaphore(%arg12 : memref<!tpu.dma_semaphore, #tpu.memory_space<semaphore_mem>>) src(%dma_wait3A_69 : memref<10240x128xf32, #tpu.memory_space<hbm>>) dst(%arg10 : memref<128x128xf32, #tpu.memory_space<vmem>>)
      %mul3A_70 = arith.constant 2 : i32
      %mul3A_71 = arith.muli %scan3A_31, %mul3A_70 : i32
      %add3A_72 = arith.constant 0 : i32
      %add3A_73 = arith.addi %mul3A_71, %add3A_72 : i32
      %dma_start3A_74 = arith.constant 0 : i32
      %dma_start3A_75 = tpu.memref_slice %arg8[%add3A_73, %dma_start3A_74] : memref<40x128xi32, #tpu.memory_space<vmem>> -> memref<1x128xi32, #tpu.memory_space<vmem>>
      %dma_start3A_76 = tpu.memref_squeeze %dma_start3A_75 : memref<1x128xi32, #tpu.memory_space<vmem>> -> memref<128xi32, #tpu.memory_space<vmem>>
      %dma_start3A_77 = arith.constant 0 : i32
      %dma_start3A_78 = arith.constant 0 : i32
      %dma_start3A_79 = tpu.memref_slice %arg11[%dma_start3A_77, %dma_start3A_78] : memref<10240x128xf32, #tpu.memory_space<vmem_shared>> -> memref<10240x128xf32, #tpu.memory_space<vmem_shared>>
      tpu.enqueue_indirect_dma source(%arg9 : memref<128x128xf32, #tpu.memory_space<vmem>>) target(%dma_start3A_79 : memref<10240x128xf32, #tpu.memory_space<vmem_shared>>) offsets(%dma_start3A_76 : memref<128xi32, #tpu.memory_space<vmem>>) semaphore(%arg13 : memref<!tpu.dma_semaphore, #tpu.memory_space<semaphore_mem>>) {add = true}
      %mul3A_80 = arith.constant 2 : i32
      %mul3A_81 = arith.muli %scan3A_31, %mul3A_80 : i32
      %add3A_82 = arith.constant 1 : i32
      %add3A_83 = arith.addi %mul3A_81, %add3A_82 : i32
      %dma_start3A_84 = arith.constant 0 : i32
      %dma_start3A_85 = tpu.memref_slice %arg8[%add3A_83, %dma_start3A_84] : memref<40x128xi32, #tpu.memory_space<vmem>> -> memref<1x128xi32, #tpu.memory_space<vmem>>
      %dma_start3A_86 = tpu.memref_squeeze %dma_start3A_85 : memref<1x128xi32, #tpu.memory_space<vmem>> -> memref<128xi32, #tpu.memory_space<vmem>>
      %dma_start3A_87 = arith.constant 0 : i32
      %dma_start3A_88 = arith.constant 0 : i32
      %dma_start3A_89 = tpu.memref_slice %arg11[%dma_start3A_87, %dma_start3A_88] : memref<10240x128xf32, #tpu.memory_space<vmem_shared>> -> memref<10240x128xf32, #tpu.memory_space<vmem_shared>>
      tpu.enqueue_indirect_dma source(%arg10 : memref<128x128xf32, #tpu.memory_space<vmem>>) target(%dma_start3A_89 : memref<10240x128xf32, #tpu.memory_space<vmem_shared>>) offsets(%dma_start3A_86 : memref<128xi32, #tpu.memory_space<vmem>>) semaphore(%arg13 : memref<!tpu.dma_semaphore, #tpu.memory_space<semaphore_mem>>) {add = true}
      %mul3A_90 = arith.constant 2 : i32
      %mul3A_91 = arith.muli %scan3A_31, %mul3A_90 : i32
      %add3A_92 = arith.constant 0 : i32
      %add3A_93 = arith.addi %mul3A_91, %add3A_92 : i32
      %dma_wait3A_94 = arith.constant 0 : i32
      %dma_wait3A_95 = tpu.memref_slice %arg8[%add3A_93, %dma_wait3A_94] : memref<40x128xi32, #tpu.memory_space<vmem>> -> memref<1x128xi32, #tpu.memory_space<vmem>>
      %dma_wait3A_96 = tpu.memref_squeeze %dma_wait3A_95 : memref<1x128xi32, #tpu.memory_space<vmem>> -> memref<128xi32, #tpu.memory_space<vmem>>
      %dma_wait3A_97 = arith.constant 0 : i32
      %dma_wait3A_98 = arith.constant 0 : i32
      %dma_wait3A_99 = tpu.memref_slice %arg11[%dma_wait3A_97, %dma_wait3A_98] : memref<10240x128xf32, #tpu.memory_space<vmem_shared>> -> memref<10240x128xf32, #tpu.memory_space<vmem_shared>>
      tpu.wait_indirect_dma semaphore(%arg13 : memref<!tpu.dma_semaphore, #tpu.memory_space<semaphore_mem>>) src(%arg9 : memref<128x128xf32, #tpu.memory_space<vmem>>) dst(%dma_wait3A_99 : memref<10240x128xf32, #tpu.memory_space<vmem_shared>>)
      %mul3A_100 = arith.constant 2 : i32
      %mul3A_101 = arith.muli %scan3A_31, %mul3A_100 : i32
      %add3A_102 = arith.constant 1 : i32
      %add3A_103 = arith.addi %mul3A_101, %add3A_102 : i32
      %dma_wait3A_104 = arith.constant 0 : i32
      %dma_wait3A_105 = tpu.memref_slice %arg8[%add3A_103, %dma_wait3A_104] : memref<40x128xi32, #tpu.memory_space<vmem>> -> memref<1x128xi32, #tpu.memory_space<vmem>>
      %dma_wait3A_106 = tpu.memref_squeeze %dma_wait3A_105 : memref<1x128xi32, #tpu.memory_space<vmem>> -> memref<128xi32, #tpu.memory_space<vmem>>
      %dma_wait3A_107 = arith.constant 0 : i32
      %dma_wait3A_108 = arith.constant 0 : i32
      %dma_wait3A_109 = tpu.memref_slice %arg11[%dma_wait3A_107, %dma_wait3A_108] : memref<10240x128xf32, #tpu.memory_space<vmem_shared>> -> memref<10240x128xf32, #tpu.memory_space<vmem_shared>>
      tpu.wait_indirect_dma semaphore(%arg13 : memref<!tpu.dma_semaphore, #tpu.memory_space<semaphore_mem>>) src(%arg10 : memref<128x128xf32, #tpu.memory_space<vmem>>) dst(%dma_wait3A_109 : memref<10240x128xf32, #tpu.memory_space<vmem_shared>>)
    }
    %scan3A_15 = arith.constant 20 : i32
    %mul3A_16 = arith.constant 80 : i32
    %mul3A_17 = arith.muli %add3A, %mul3A_16 : i32
    %add3A_18 = arith.constant 40 : i32
    %add3A_19 = arith.addi %mul3A_17, %add3A_18 : i32
    "tpu.region"() ({
      %run_scoped3A = tpu.sem_alloc : memref<!tpu.dma_semaphore, #tpu.memory_space<semaphore_mem>>
      %dma_start3A = arith.constant 0 : i32
      %dma_start3A_31 = tpu.memref_slice %arg3[%add3A_19, %dma_start3A] : memref<2560x128xi32, #tpu.memory_space<hbm>> -> memref<40x128xi32, #tpu.memory_space<hbm>>
      %dma_start3A_32 = arith.constant 0 : i32
      %dma_start3A_33 = tpu.memref_slice %arg3[%add3A_19, %dma_start3A_32] : memref<2560x128xi32, #tpu.memory_space<hbm>> -> memref<40x128xi32, #tpu.memory_space<hbm>>
      tpu.enqueue_dma source(%dma_start3A_33 : memref<40x128xi32, #tpu.memory_space<hbm>>) target(%arg7 : memref<40x128xi32, #tpu.memory_space<vmem>>) target_semaphore(%run_scoped3A : memref<!tpu.dma_semaphore, #tpu.memory_space<semaphore_mem>>)
      %dma_wait3A = arith.constant 0 : i32
      %dma_wait3A_34 = tpu.memref_slice %arg3[%add3A_19, %dma_wait3A] : memref<2560x128xi32, #tpu.memory_space<hbm>> -> memref<40x128xi32, #tpu.memory_space<hbm>>
      %dma_wait3A_35 = arith.constant 0 : i32
      %dma_wait3A_36 = tpu.memref_slice %arg3[%add3A_19, %dma_wait3A_35] : memref<2560x128xi32, #tpu.memory_space<hbm>> -> memref<40x128xi32, #tpu.memory_space<hbm>>
      tpu.wait_dma2 semaphore(%run_scoped3A : memref<!tpu.dma_semaphore, #tpu.memory_space<semaphore_mem>>) src(%dma_wait3A_36 : memref<40x128xi32, #tpu.memory_space<hbm>>) dst(%arg7 : memref<40x128xi32, #tpu.memory_space<vmem>>)
      tpu.yield
    }) : () -> ()
    %mul3A_20 = arith.constant 80 : i32
    %mul3A_21 = arith.muli %add3A, %mul3A_20 : i32
    %add3A_22 = arith.constant 40 : i32
    %add3A_23 = arith.addi %mul3A_21, %add3A_22 : i32
    "tpu.region"() ({
      %run_scoped3A = tpu.sem_alloc : memref<!tpu.dma_semaphore, #tpu.memory_space<semaphore_mem>>
      %dma_start3A = arith.constant 0 : i32
      %dma_start3A_31 = tpu.memref_slice %arg4[%add3A_23, %dma_start3A] : memref<2560x128xi32, #tpu.memory_space<hbm>> -> memref<40x128xi32, #tpu.memory_space<hbm>>
      %dma_start3A_32 = arith.constant 0 : i32
      %dma_start3A_33 = tpu.memref_slice %arg4[%add3A_23, %dma_start3A_32] : memref<2560x128xi32, #tpu.memory_space<hbm>> -> memref<40x128xi32, #tpu.memory_space<hbm>>
      tpu.enqueue_dma source(%dma_start3A_33 : memref<40x128xi32, #tpu.memory_space<hbm>>) target(%arg8 : memref<40x128xi32, #tpu.memory_space<vmem>>) target_semaphore(%run_scoped3A : memref<!tpu.dma_semaphore, #tpu.memory_space<semaphore_mem>>)
      %dma_wait3A = arith.constant 0 : i32
      %dma_wait3A_34 = tpu.memref_slice %arg4[%add3A_23, %dma_wait3A] : memref<2560x128xi32, #tpu.memory_space<hbm>> -> memref<40x128xi32, #tpu.memory_space<hbm>>
      %dma_wait3A_35 = arith.constant 0 : i32
      %dma_wait3A_36 = tpu.memref_slice %arg4[%add3A_23, %dma_wait3A_35] : memref<2560x128xi32, #tpu.memory_space<hbm>> -> memref<40x128xi32, #tpu.memory_space<hbm>>
      tpu.wait_dma2 semaphore(%run_scoped3A : memref<!tpu.dma_semaphore, #tpu.memory_space<semaphore_mem>>) src(%dma_wait3A_36 : memref<40x128xi32, #tpu.memory_space<hbm>>) dst(%arg8 : memref<40x128xi32, #tpu.memory_space<vmem>>)
      tpu.yield
    }) : () -> ()
    %scan3A_24 = arith.constant 0 : i32
    %scan3A_25 = arith.constant 0 : i32
    %scan3A_26 = arith.constant 20 : i32
    %scan3A_27 = arith.addi %scan3A_25, %scan3A_26 : i32
    %scan3A_28 = arith.constant 1 : i32
    scf.for %scan3A_31 = %scan3A_25 to %scan3A_27 step %scan3A_28  : i32 {
      %mul3A_32 = arith.constant 2 : i32
      %mul3A_33 = arith.muli %scan3A_31, %mul3A_32 : i32
      %add3A_34 = arith.constant 0 : i32
      %add3A_35 = arith.addi %mul3A_33, %add3A_34 : i32
      %dma_start3A = arith.constant 0 : i32
      %dma_start3A_36 = tpu.memref_slice %arg7[%add3A_35, %dma_start3A] : memref<40x128xi32, #tpu.memory_space<vmem>> -> memref<1x128xi32, #tpu.memory_space<vmem>>
      %dma_start3A_37 = tpu.memref_squeeze %dma_start3A_36 : memref<1x128xi32, #tpu.memory_space<vmem>> -> memref<128xi32, #tpu.memory_space<vmem>>
      %dma_start3A_38 = arith.constant 0 : i32
      %dma_start3A_39 = arith.constant 0 : i32
      %dma_start3A_40 = tpu.memref_slice %arg2[%dma_start3A_38, %dma_start3A_39] : memref<10240x128xf32, #tpu.memory_space<hbm>> -> memref<10240x128xf32, #tpu.memory_space<hbm>>
      tpu.enqueue_indirect_dma source(%dma_start3A_40 : memref<10240x128xf32, #tpu.memory_space<hbm>>) target(%arg9 : memref<128x128xf32, #tpu.memory_space<vmem>>) offsets(%dma_start3A_37 : memref<128xi32, #tpu.memory_space<vmem>>) semaphore(%arg12 : memref<!tpu.dma_semaphore, #tpu.memory_space<semaphore_mem>>)
      %mul3A_41 = arith.constant 2 : i32
      %mul3A_42 = arith.muli %scan3A_31, %mul3A_41 : i32
      %add3A_43 = arith.constant 1 : i32
      %add3A_44 = arith.addi %mul3A_42, %add3A_43 : i32
      %dma_start3A_45 = arith.constant 0 : i32
      %dma_start3A_46 = tpu.memref_slice %arg7[%add3A_44, %dma_start3A_45] : memref<40x128xi32, #tpu.memory_space<vmem>> -> memref<1x128xi32, #tpu.memory_space<vmem>>
      %dma_start3A_47 = tpu.memref_squeeze %dma_start3A_46 : memref<1x128xi32, #tpu.memory_space<vmem>> -> memref<128xi32, #tpu.memory_space<vmem>>
      %dma_start3A_48 = arith.constant 0 : i32
      %dma_start3A_49 = arith.constant 0 : i32
      %dma_start3A_50 = tpu.memref_slice %arg2[%dma_start3A_48, %dma_start3A_49] : memref<10240x128xf32, #tpu.memory_space<hbm>> -> memref<10240x128xf32, #tpu.memory_space<hbm>>
      tpu.enqueue_indirect_dma source(%dma_start3A_50 : memref<10240x128xf32, #tpu.memory_space<hbm>>) target(%arg10 : memref<128x128xf32, #tpu.memory_space<vmem>>) offsets(%dma_start3A_47 : memref<128xi32, #tpu.memory_space<vmem>>) semaphore(%arg12 : memref<!tpu.dma_semaphore, #tpu.memory_space<semaphore_mem>>)
      %mul3A_51 = arith.constant 2 : i32
      %mul3A_52 = arith.muli %scan3A_31, %mul3A_51 : i32
      %add3A_53 = arith.constant 0 : i32
      %add3A_54 = arith.addi %mul3A_52, %add3A_53 : i32
      %dma_wait3A = arith.constant 0 : i32
      %dma_wait3A_55 = tpu.memref_slice %arg7[%add3A_54, %dma_wait3A] : memref<40x128xi32, #tpu.memory_space<vmem>> -> memref<1x128xi32, #tpu.memory_space<vmem>>
      %dma_wait3A_56 = tpu.memref_squeeze %dma_wait3A_55 : memref<1x128xi32, #tpu.memory_space<vmem>> -> memref<128xi32, #tpu.memory_space<vmem>>
      %dma_wait3A_57 = arith.constant 0 : i32
      %dma_wait3A_58 = arith.constant 0 : i32
      %dma_wait3A_59 = tpu.memref_slice %arg2[%dma_wait3A_57, %dma_wait3A_58] : memref<10240x128xf32, #tpu.memory_space<hbm>> -> memref<10240x128xf32, #tpu.memory_space<hbm>>
      tpu.wait_indirect_dma semaphore(%arg12 : memref<!tpu.dma_semaphore, #tpu.memory_space<semaphore_mem>>) src(%dma_wait3A_59 : memref<10240x128xf32, #tpu.memory_space<hbm>>) dst(%arg9 : memref<128x128xf32, #tpu.memory_space<vmem>>)
      %mul3A_60 = arith.constant 2 : i32
      %mul3A_61 = arith.muli %scan3A_31, %mul3A_60 : i32
      %add3A_62 = arith.constant 1 : i32
      %add3A_63 = arith.addi %mul3A_61, %add3A_62 : i32
      %dma_wait3A_64 = arith.constant 0 : i32
      %dma_wait3A_65 = tpu.memref_slice %arg7[%add3A_63, %dma_wait3A_64] : memref<40x128xi32, #tpu.memory_space<vmem>> -> memref<1x128xi32, #tpu.memory_space<vmem>>
      %dma_wait3A_66 = tpu.memref_squeeze %dma_wait3A_65 : memref<1x128xi32, #tpu.memory_space<vmem>> -> memref<128xi32, #tpu.memory_space<vmem>>
      %dma_wait3A_67 = arith.constant 0 : i32
      %dma_wait3A_68 = arith.constant 0 : i32
      %dma_wait3A_69 = tpu.memref_slice %arg2[%dma_wait3A_67, %dma_wait3A_68] : memref<10240x128xf32, #tpu.memory_space<hbm>> -> memref<10240x128xf32, #tpu.memory_space<hbm>>
      tpu.wait_indirect_dma semaphore(%arg12 : memref<!tpu.dma_semaphore, #tpu.memory_space<semaphore_mem>>) src(%dma_wait3A_69 : memref<10240x128xf32, #tpu.memory_space<hbm>>) dst(%arg10 : memref<128x128xf32, #tpu.memory_space<vmem>>)
      %mul3A_70 = arith.constant 2 : i32
      %mul3A_71 = arith.muli %scan3A_31, %mul3A_70 : i32
      %add3A_72 = arith.constant 0 : i32
      %add3A_73 = arith.addi %mul3A_71, %add3A_72 : i32
      %dma_start3A_74 = arith.constant 0 : i32
      %dma_start3A_75 = tpu.memref_slice %arg8[%add3A_73, %dma_start3A_74] : memref<40x128xi32, #tpu.memory_space<vmem>> -> memref<1x128xi32, #tpu.memory_space<vmem>>
      %dma_start3A_76 = tpu.memref_squeeze %dma_start3A_75 : memref<1x128xi32, #tpu.memory_space<vmem>> -> memref<128xi32, #tpu.memory_space<vmem>>
      %dma_start3A_77 = arith.constant 0 : i32
      %dma_start3A_78 = arith.constant 0 : i32
      %dma_start3A_79 = tpu.memref_slice %arg11[%dma_start3A_77, %dma_start3A_78] : memref<10240x128xf32, #tpu.memory_space<vmem_shared>> -> memref<10240x128xf32, #tpu.memory_space<vmem_shared>>
      tpu.enqueue_indirect_dma source(%arg9 : memref<128x128xf32, #tpu.memory_space<vmem>>) target(%dma_start3A_79 : memref<10240x128xf32, #tpu.memory_space<vmem_shared>>) offsets(%dma_start3A_76 : memref<128xi32, #tpu.memory_space<vmem>>) semaphore(%arg13 : memref<!tpu.dma_semaphore, #tpu.memory_space<semaphore_mem>>) {add = true}
      %mul3A_80 = arith.constant 2 : i32
      %mul3A_81 = arith.muli %scan3A_31, %mul3A_80 : i32
      %add3A_82 = arith.constant 1 : i32
      %add3A_83 = arith.addi %mul3A_81, %add3A_82 : i32
      %dma_start3A_84 = arith.constant 0 : i32
      %dma_start3A_85 = tpu.memref_slice %arg8[%add3A_83, %dma_start3A_84] : memref<40x128xi32, #tpu.memory_space<vmem>> -> memref<1x128xi32, #tpu.memory_space<vmem>>
      %dma_start3A_86 = tpu.memref_squeeze %dma_start3A_85 : memref<1x128xi32, #tpu.memory_space<vmem>> -> memref<128xi32, #tpu.memory_space<vmem>>
      %dma_start3A_87 = arith.constant 0 : i32
      %dma_start3A_88 = arith.constant 0 : i32
      %dma_start3A_89 = tpu.memref_slice %arg11[%dma_start3A_87, %dma_start3A_88] : memref<10240x128xf32, #tpu.memory_space<vmem_shared>> -> memref<10240x128xf32, #tpu.memory_space<vmem_shared>>
      tpu.enqueue_indirect_dma source(%arg10 : memref<128x128xf32, #tpu.memory_space<vmem>>) target(%dma_start3A_89 : memref<10240x128xf32, #tpu.memory_space<vmem_shared>>) offsets(%dma_start3A_86 : memref<128xi32, #tpu.memory_space<vmem>>) semaphore(%arg13 : memref<!tpu.dma_semaphore, #tpu.memory_space<semaphore_mem>>) {add = true}
      %mul3A_90 = arith.constant 2 : i32
      %mul3A_91 = arith.muli %scan3A_31, %mul3A_90 : i32
      %add3A_92 = arith.constant 0 : i32
      %add3A_93 = arith.addi %mul3A_91, %add3A_92 : i32
      %dma_wait3A_94 = arith.constant 0 : i32
      %dma_wait3A_95 = tpu.memref_slice %arg8[%add3A_93, %dma_wait3A_94] : memref<40x128xi32, #tpu.memory_space<vmem>> -> memref<1x128xi32, #tpu.memory_space<vmem>>
      %dma_wait3A_96 = tpu.memref_squeeze %dma_wait3A_95 : memref<1x128xi32, #tpu.memory_space<vmem>> -> memref<128xi32, #tpu.memory_space<vmem>>
      %dma_wait3A_97 = arith.constant 0 : i32
      %dma_wait3A_98 = arith.constant 0 : i32
      %dma_wait3A_99 = tpu.memref_slice %arg11[%dma_wait3A_97, %dma_wait3A_98] : memref<10240x128xf32, #tpu.memory_space<vmem_shared>> -> memref<10240x128xf32, #tpu.memory_space<vmem_shared>>
      tpu.wait_indirect_dma semaphore(%arg13 : memref<!tpu.dma_semaphore, #tpu.memory_space<semaphore_mem>>) src(%arg9 : memref<128x128xf32, #tpu.memory_space<vmem>>) dst(%dma_wait3A_99 : memref<10240x128xf32, #tpu.memory_space<vmem_shared>>)
      %mul3A_100 = arith.constant 2 : i32
      %mul3A_101 = arith.muli %scan3A_31, %mul3A_100 : i32
      %add3A_102 = arith.constant 1 : i32
      %add3A_103 = arith.addi %mul3A_101, %add3A_102 : i32
      %dma_wait3A_104 = arith.constant 0 : i32
      %dma_wait3A_105 = tpu.memref_slice %arg8[%add3A_103, %dma_wait3A_104] : memref<40x128xi32, #tpu.memory_space<vmem>> -> memref<1x128xi32, #tpu.memory_space<vmem>>
      %dma_wait3A_106 = tpu.memref_squeeze %dma_wait3A_105 : memref<1x128xi32, #tpu.memory_space<vmem>> -> memref<128xi32, #tpu.memory_space<vmem>>
      %dma_wait3A_107 = arith.constant 0 : i32
      %dma_wait3A_108 = arith.constant 0 : i32
      %dma_wait3A_109 = tpu.memref_slice %arg11[%dma_wait3A_107, %dma_wait3A_108] : memref<10240x128xf32, #tpu.memory_space<vmem_shared>> -> memref<10240x128xf32, #tpu.memory_space<vmem_shared>>
      tpu.wait_indirect_dma semaphore(%arg13 : memref<!tpu.dma_semaphore, #tpu.memory_space<semaphore_mem>>) src(%arg10 : memref<128x128xf32, #tpu.memory_space<vmem>>) dst(%dma_wait3A_109 : memref<10240x128xf32, #tpu.memory_space<vmem_shared>>)
    }
    %scan3A_29 = arith.constant 20 : i32
    %barrier3A_30 = arith.constant 0 : index
    tpu.barrier barrier_id(%barrier3A_30)
    "tpu.region"() ({
      %run_scoped3A = tpu.sem_alloc : memref<!tpu.dma_semaphore, #tpu.memory_space<semaphore_mem>>
      %dma_start3A = arith.constant 0 : i32
      %dma_start3A_31 = arith.constant 0 : i32
      %dma_start3A_32 = tpu.memref_slice %arg6[%arg0, %dma_start3A, %dma_start3A_31] : memref<2x10240x128xf32, #tpu.memory_space<hbm>> -> memref<1x10240x128xf32, #tpu.memory_space<hbm>>
      %dma_start3A_33 = tpu.memref_squeeze %dma_start3A_32 : memref<1x10240x128xf32, #tpu.memory_space<hbm>> -> memref<10240x128xf32, #tpu.memory_space<hbm>>
      %dma_start3A_34 = arith.constant 0 : i32
      %dma_start3A_35 = tpu.memref_slice %dma_start3A_33[%mul3A_2, %dma_start3A_34] : memref<10240x128xf32, #tpu.memory_space<hbm>> -> memref<640x128xf32, #tpu.memory_space<hbm>>
      %dma_start3A_36 = arith.constant 0 : i32
      %dma_start3A_37 = tpu.memref_slice %arg11[%mul3A_2, %dma_start3A_36] : memref<10240x128xf32, #tpu.memory_space<vmem_shared>> -> memref<640x128xf32, #tpu.memory_space<vmem_shared>>
      tpu.enqueue_dma source(%dma_start3A_37 : memref<640x128xf32, #tpu.memory_space<vmem_shared>>) target(%dma_start3A_35 : memref<640x128xf32, #tpu.memory_space<hbm>>) target_semaphore(%run_scoped3A : memref<!tpu.dma_semaphore, #tpu.memory_space<semaphore_mem>>)
      %dma_wait3A = arith.constant 0 : i32
      %dma_wait3A_38 = arith.constant 0 : i32
      %dma_wait3A_39 = tpu.memref_slice %arg6[%arg0, %dma_wait3A, %dma_wait3A_38] : memref<2x10240x128xf32, #tpu.memory_space<hbm>> -> memref<1x10240x128xf32, #tpu.memory_space<hbm>>
      %dma_wait3A_40 = tpu.memref_squeeze %dma_wait3A_39 : memref<1x10240x128xf32, #tpu.memory_space<hbm>> -> memref<10240x128xf32, #tpu.memory_space<hbm>>
      %dma_wait3A_41 = arith.constant 0 : i32
      %dma_wait3A_42 = tpu.memref_slice %dma_wait3A_40[%mul3A_2, %dma_wait3A_41] : memref<10240x128xf32, #tpu.memory_space<hbm>> -> memref<640x128xf32, #tpu.memory_space<hbm>>
      %dma_wait3A_43 = arith.constant 0 : i32
      %dma_wait3A_44 = tpu.memref_slice %arg11[%mul3A_2, %dma_wait3A_43] : memref<10240x128xf32, #tpu.memory_space<vmem_shared>> -> memref<640x128xf32, #tpu.memory_space<vmem_shared>>
      tpu.wait_dma2 semaphore(%run_scoped3A : memref<!tpu.dma_semaphore, #tpu.memory_space<semaphore_mem>>) src(%dma_wait3A_44 : memref<640x128xf32, #tpu.memory_space<vmem_shared>>) dst(%dma_wait3A_42 : memref<640x128xf32, #tpu.memory_space<hbm>>)
      tpu.yield
    }) : () -> ()
    return
  }
}

#map = affine_map<(d0, d1) -> (0, 0)>
#map1 = affine_map<(d0, d1) -> (0, 0, 0)>
module attributes {stable_mosaic.version = 14 : i64} {
  func.func @_edge_scatter(%arg0: i32, %arg1: i32, %arg2: memref<10240x128xf32, #tpu.memory_space<hbm>>, %arg3: memref<2560x128xi32, #tpu.memory_space<hbm>>, %arg4: memref<2560x128xi32, #tpu.memory_space<hbm>>, %arg5: memref<10240x128xf32, #tpu.memory_space<hbm>>, %arg6: memref<2x10240x128xf32, #tpu.memory_space<hbm>>, %arg7: memref<40x128xi32, #tpu.memory_space<vmem>>, %arg8: memref<40x128xi32, #tpu.memory_space<vmem>>, %arg9: memref<128x128xf32, #tpu.memory_space<vmem>>, %arg10: memref<128x128xf32, #tpu.memory_space<vmem>>, %arg11: memref<10240x128xf32, #tpu.memory_space<vmem_shared>>, %arg12: memref<!tpu.dma_semaphore, #tpu.memory_space<semaphore_mem>>, %arg13: memref<!tpu.dma_semaphore, #tpu.memory_space<semaphore_mem>>) attributes {dimension_semantics = [#tpu.dimension_semantics<core_parallel>, #tpu.dimension_semantics<subcore_parallel>], iteration_bounds = array<i64: 2, 16>, scalar_prefetch = 0 : i64, scratch_operands = 7 : i64, tpu.core_type = #tpu.core_type<sc_vector_subcore>, window_params = [{transform_indices = #map}, {transform_indices = #map}, {transform_indices = #map}, {transform_indices = #map}, {transform_indices = #map1}]} {
    %mul3A = arith.constant 2 : i32
    %mul3A_0 = arith.muli %arg1, %mul3A : i32
    %add3A = arith.addi %mul3A_0, %arg0 : i32
    %mul3A_1 = arith.constant 640 : i32
    %mul3A_2 = arith.muli %arg1, %mul3A_1 : i32
    "tpu.region"() ({
      %run_scoped3A = tpu.sem_alloc : memref<!tpu.dma_semaphore, #tpu.memory_space<semaphore_mem>>
      %dma_start3A = arith.constant 0 : i32
      %dma_start3A_31 = tpu.memref_slice %arg11[%mul3A_2, %dma_start3A] : memref<10240x128xf32, #tpu.memory_space<vmem_shared>> -> memref<640x128xf32, #tpu.memory_space<vmem_shared>>
      %dma_start3A_32 = arith.constant 0 : i32
      %dma_start3A_33 = tpu.memref_slice %arg5[%mul3A_2, %dma_start3A_32] : memref<10240x128xf32, #tpu.memory_space<hbm>> -> memref<640x128xf32, #tpu.memory_space<hbm>>
      tpu.enqueue_dma source(%dma_start3A_33 : memref<640x128xf32, #tpu.memory_space<hbm>>) target(%dma_start3A_31 : memref<640x128xf32, #tpu.memory_space<vmem_shared>>) target_semaphore(%run_scoped3A : memref<!tpu.dma_semaphore, #tpu.memory_space<semaphore_mem>>)
      %dma_wait3A = arith.constant 0 : i32
      %dma_wait3A_34 = tpu.memref_slice %arg11[%mul3A_2, %dma_wait3A] : memref<10240x128xf32, #tpu.memory_space<vmem_shared>> -> memref<640x128xf32, #tpu.memory_space<vmem_shared>>
      %dma_wait3A_35 = arith.constant 0 : i32
      %dma_wait3A_36 = tpu.memref_slice %arg5[%mul3A_2, %dma_wait3A_35] : memref<10240x128xf32, #tpu.memory_space<hbm>> -> memref<640x128xf32, #tpu.memory_space<hbm>>
      tpu.wait_dma2 semaphore(%run_scoped3A : memref<!tpu.dma_semaphore, #tpu.memory_space<semaphore_mem>>) src(%dma_wait3A_36 : memref<640x128xf32, #tpu.memory_space<hbm>>) dst(%dma_wait3A_34 : memref<640x128xf32, #tpu.memory_space<vmem_shared>>)
      tpu.yield
    }) : () -> ()
    %barrier3A = arith.constant 0 : index
    tpu.barrier barrier_id(%barrier3A)
    %mul3A_3 = arith.constant 80 : i32
    %mul3A_4 = arith.muli %add3A, %mul3A_3 : i32
    %add3A_5 = arith.constant 0 : i32
    %add3A_6 = arith.addi %mul3A_4, %add3A_5 : i32
    "tpu.region"() ({
      %run_scoped3A = tpu.sem_alloc : memref<!tpu.dma_semaphore, #tpu.memory_space<semaphore_mem>>
      %dma_start3A = arith.constant 0 : i32
      %dma_start3A_31 = tpu.memref_slice %arg3[%add3A_6, %dma_start3A] : memref<2560x128xi32, #tpu.memory_space<hbm>> -> memref<40x128xi32, #tpu.memory_space<hbm>>
      %dma_start3A_32 = arith.constant 0 : i32
      %dma_start3A_33 = tpu.memref_slice %arg3[%add3A_6, %dma_start3A_32] : memref<2560x128xi32, #tpu.memory_space<hbm>> -> memref<40x128xi32, #tpu.memory_space<hbm>>
      tpu.enqueue_dma source(%dma_start3A_33 : memref<40x128xi32, #tpu.memory_space<hbm>>) target(%arg7 : memref<40x128xi32, #tpu.memory_space<vmem>>) target_semaphore(%run_scoped3A : memref<!tpu.dma_semaphore, #tpu.memory_space<semaphore_mem>>)
      %dma_wait3A = arith.constant 0 : i32
      %dma_wait3A_34 = tpu.memref_slice %arg3[%add3A_6, %dma_wait3A] : memref<2560x128xi32, #tpu.memory_space<hbm>> -> memref<40x128xi32, #tpu.memory_space<hbm>>
      %dma_wait3A_35 = arith.constant 0 : i32
      %dma_wait3A_36 = tpu.memref_slice %arg3[%add3A_6, %dma_wait3A_35] : memref<2560x128xi32, #tpu.memory_space<hbm>> -> memref<40x128xi32, #tpu.memory_space<hbm>>
      tpu.wait_dma2 semaphore(%run_scoped3A : memref<!tpu.dma_semaphore, #tpu.memory_space<semaphore_mem>>) src(%dma_wait3A_36 : memref<40x128xi32, #tpu.memory_space<hbm>>) dst(%arg7 : memref<40x128xi32, #tpu.memory_space<vmem>>)
      tpu.yield
    }) : () -> ()
    %mul3A_7 = arith.constant 80 : i32
    %mul3A_8 = arith.muli %add3A, %mul3A_7 : i32
    %add3A_9 = arith.constant 0 : i32
    %add3A_10 = arith.addi %mul3A_8, %add3A_9 : i32
    "tpu.region"() ({
      %run_scoped3A = tpu.sem_alloc : memref<!tpu.dma_semaphore, #tpu.memory_space<semaphore_mem>>
      %dma_start3A = arith.constant 0 : i32
      %dma_start3A_31 = tpu.memref_slice %arg4[%add3A_10, %dma_start3A] : memref<2560x128xi32, #tpu.memory_space<hbm>> -> memref<40x128xi32, #tpu.memory_space<hbm>>
      %dma_start3A_32 = arith.constant 0 : i32
      %dma_start3A_33 = tpu.memref_slice %arg4[%add3A_10, %dma_start3A_32] : memref<2560x128xi32, #tpu.memory_space<hbm>> -> memref<40x128xi32, #tpu.memory_space<hbm>>
      tpu.enqueue_dma source(%dma_start3A_33 : memref<40x128xi32, #tpu.memory_space<hbm>>) target(%arg8 : memref<40x128xi32, #tpu.memory_space<vmem>>) target_semaphore(%run_scoped3A : memref<!tpu.dma_semaphore, #tpu.memory_space<semaphore_mem>>)
      %dma_wait3A = arith.constant 0 : i32
      %dma_wait3A_34 = tpu.memref_slice %arg4[%add3A_10, %dma_wait3A] : memref<2560x128xi32, #tpu.memory_space<hbm>> -> memref<40x128xi32, #tpu.memory_space<hbm>>
      %dma_wait3A_35 = arith.constant 0 : i32
      %dma_wait3A_36 = tpu.memref_slice %arg4[%add3A_10, %dma_wait3A_35] : memref<2560x128xi32, #tpu.memory_space<hbm>> -> memref<40x128xi32, #tpu.memory_space<hbm>>
      tpu.wait_dma2 semaphore(%run_scoped3A : memref<!tpu.dma_semaphore, #tpu.memory_space<semaphore_mem>>) src(%dma_wait3A_36 : memref<40x128xi32, #tpu.memory_space<hbm>>) dst(%arg8 : memref<40x128xi32, #tpu.memory_space<vmem>>)
      tpu.yield
    }) : () -> ()
    %scan3A = arith.constant 0 : i32
    %scan3A_11 = arith.constant 0 : i32
    %scan3A_12 = arith.constant 20 : i32
    %scan3A_13 = arith.addi %scan3A_11, %scan3A_12 : i32
    %scan3A_14 = arith.constant 1 : i32
    scf.for %scan3A_31 = %scan3A_11 to %scan3A_13 step %scan3A_14  : i32 {
      %mul3A_32 = arith.constant 2 : i32
      %mul3A_33 = arith.muli %scan3A_31, %mul3A_32 : i32
      %add3A_34 = arith.constant 0 : i32
      %add3A_35 = arith.addi %mul3A_33, %add3A_34 : i32
      %dma_start3A = arith.constant 0 : i32
      %dma_start3A_36 = tpu.memref_slice %arg7[%add3A_35, %dma_start3A] : memref<40x128xi32, #tpu.memory_space<vmem>> -> memref<1x128xi32, #tpu.memory_space<vmem>>
      %dma_start3A_37 = tpu.memref_squeeze %dma_start3A_36 : memref<1x128xi32, #tpu.memory_space<vmem>> -> memref<128xi32, #tpu.memory_space<vmem>>
      %dma_start3A_38 = arith.constant 0 : i32
      %dma_start3A_39 = arith.constant 0 : i32
      %dma_start3A_40 = tpu.memref_slice %arg2[%dma_start3A_38, %dma_start3A_39] : memref<10240x128xf32, #tpu.memory_space<hbm>> -> memref<10240x128xf32, #tpu.memory_space<hbm>>
      tpu.enqueue_indirect_dma source(%dma_start3A_40 : memref<10240x128xf32, #tpu.memory_space<hbm>>) target(%arg9 : memref<128x128xf32, #tpu.memory_space<vmem>>) offsets(%dma_start3A_37 : memref<128xi32, #tpu.memory_space<vmem>>) semaphore(%arg12 : memref<!tpu.dma_semaphore, #tpu.memory_space<semaphore_mem>>)
      %mul3A_41 = arith.constant 2 : i32
      %mul3A_42 = arith.muli %scan3A_31, %mul3A_41 : i32
      %add3A_43 = arith.constant 1 : i32
      %add3A_44 = arith.addi %mul3A_42, %add3A_43 : i32
      %dma_start3A_45 = arith.constant 0 : i32
      %dma_start3A_46 = tpu.memref_slice %arg7[%add3A_44, %dma_start3A_45] : memref<40x128xi32, #tpu.memory_space<vmem>> -> memref<1x128xi32, #tpu.memory_space<vmem>>
      %dma_start3A_47 = tpu.memref_squeeze %dma_start3A_46 : memref<1x128xi32, #tpu.memory_space<vmem>> -> memref<128xi32, #tpu.memory_space<vmem>>
      %dma_start3A_48 = arith.constant 0 : i32
      %dma_start3A_49 = arith.constant 0 : i32
      %dma_start3A_50 = tpu.memref_slice %arg2[%dma_start3A_48, %dma_start3A_49] : memref<10240x128xf32, #tpu.memory_space<hbm>> -> memref<10240x128xf32, #tpu.memory_space<hbm>>
      tpu.enqueue_indirect_dma source(%dma_start3A_50 : memref<10240x128xf32, #tpu.memory_space<hbm>>) target(%arg10 : memref<128x128xf32, #tpu.memory_space<vmem>>) offsets(%dma_start3A_47 : memref<128xi32, #tpu.memory_space<vmem>>) semaphore(%arg12 : memref<!tpu.dma_semaphore, #tpu.memory_space<semaphore_mem>>)
      %mul3A_51 = arith.constant 2 : i32
      %mul3A_52 = arith.muli %scan3A_31, %mul3A_51 : i32
      %add3A_53 = arith.constant 0 : i32
      %add3A_54 = arith.addi %mul3A_52, %add3A_53 : i32
      %dma_wait3A = arith.constant 0 : i32
      %dma_wait3A_55 = tpu.memref_slice %arg7[%add3A_54, %dma_wait3A] : memref<40x128xi32, #tpu.memory_space<vmem>> -> memref<1x128xi32, #tpu.memory_space<vmem>>
      %dma_wait3A_56 = tpu.memref_squeeze %dma_wait3A_55 : memref<1x128xi32, #tpu.memory_space<vmem>> -> memref<128xi32, #tpu.memory_space<vmem>>
      %dma_wait3A_57 = arith.constant 0 : i32
      %dma_wait3A_58 = arith.constant 0 : i32
      %dma_wait3A_59 = tpu.memref_slice %arg2[%dma_wait3A_57, %dma_wait3A_58] : memref<10240x128xf32, #tpu.memory_space<hbm>> -> memref<10240x128xf32, #tpu.memory_space<hbm>>
      tpu.wait_indirect_dma semaphore(%arg12 : memref<!tpu.dma_semaphore, #tpu.memory_space<semaphore_mem>>) src(%dma_wait3A_59 : memref<10240x128xf32, #tpu.memory_space<hbm>>) dst(%arg9 : memref<128x128xf32, #tpu.memory_space<vmem>>)
      %mul3A_60 = arith.constant 2 : i32
      %mul3A_61 = arith.muli %scan3A_31, %mul3A_60 : i32
      %add3A_62 = arith.constant 1 : i32
      %add3A_63 = arith.addi %mul3A_61, %add3A_62 : i32
      %dma_wait3A_64 = arith.constant 0 : i32
      %dma_wait3A_65 = tpu.memref_slice %arg7[%add3A_63, %dma_wait3A_64] : memref<40x128xi32, #tpu.memory_space<vmem>> -> memref<1x128xi32, #tpu.memory_space<vmem>>
      %dma_wait3A_66 = tpu.memref_squeeze %dma_wait3A_65 : memref<1x128xi32, #tpu.memory_space<vmem>> -> memref<128xi32, #tpu.memory_space<vmem>>
      %dma_wait3A_67 = arith.constant 0 : i32
      %dma_wait3A_68 = arith.constant 0 : i32
      %dma_wait3A_69 = tpu.memref_slice %arg2[%dma_wait3A_67, %dma_wait3A_68] : memref<10240x128xf32, #tpu.memory_space<hbm>> -> memref<10240x128xf32, #tpu.memory_space<hbm>>
      tpu.wait_indirect_dma semaphore(%arg12 : memref<!tpu.dma_semaphore, #tpu.memory_space<semaphore_mem>>) src(%dma_wait3A_69 : memref<10240x128xf32, #tpu.memory_space<hbm>>) dst(%arg10 : memref<128x128xf32, #tpu.memory_space<vmem>>)
      %mul3A_70 = arith.constant 2 : i32
      %mul3A_71 = arith.muli %scan3A_31, %mul3A_70 : i32
      %add3A_72 = arith.constant 0 : i32
      %add3A_73 = arith.addi %mul3A_71, %add3A_72 : i32
      %dma_start3A_74 = arith.constant 0 : i32
      %dma_start3A_75 = tpu.memref_slice %arg8[%add3A_73, %dma_start3A_74] : memref<40x128xi32, #tpu.memory_space<vmem>> -> memref<1x128xi32, #tpu.memory_space<vmem>>
      %dma_start3A_76 = tpu.memref_squeeze %dma_start3A_75 : memref<1x128xi32, #tpu.memory_space<vmem>> -> memref<128xi32, #tpu.memory_space<vmem>>
      %dma_start3A_77 = arith.constant 0 : i32
      %dma_start3A_78 = arith.constant 0 : i32
      %dma_start3A_79 = tpu.memref_slice %arg11[%dma_start3A_77, %dma_start3A_78] : memref<10240x128xf32, #tpu.memory_space<vmem_shared>> -> memref<10240x128xf32, #tpu.memory_space<vmem_shared>>
      tpu.enqueue_indirect_dma source(%arg9 : memref<128x128xf32, #tpu.memory_space<vmem>>) target(%dma_start3A_79 : memref<10240x128xf32, #tpu.memory_space<vmem_shared>>) offsets(%dma_start3A_76 : memref<128xi32, #tpu.memory_space<vmem>>) semaphore(%arg13 : memref<!tpu.dma_semaphore, #tpu.memory_space<semaphore_mem>>) {add = true}
      %mul3A_80 = arith.constant 2 : i32
      %mul3A_81 = arith.muli %scan3A_31, %mul3A_80 : i32
      %add3A_82 = arith.constant 1 : i32
      %add3A_83 = arith.addi %mul3A_81, %add3A_82 : i32
      %dma_start3A_84 = arith.constant 0 : i32
      %dma_start3A_85 = tpu.memref_slice %arg8[%add3A_83, %dma_start3A_84] : memref<40x128xi32, #tpu.memory_space<vmem>> -> memref<1x128xi32, #tpu.memory_space<vmem>>
      %dma_start3A_86 = tpu.memref_squeeze %dma_start3A_85 : memref<1x128xi32, #tpu.memory_space<vmem>> -> memref<128xi32, #tpu.memory_space<vmem>>
      %dma_start3A_87 = arith.constant 0 : i32
      %dma_start3A_88 = arith.constant 0 : i32
      %dma_start3A_89 = tpu.memref_slice %arg11[%dma_start3A_87, %dma_start3A_88] : memref<10240x128xf32, #tpu.memory_space<vmem_shared>> -> memref<10240x128xf32, #tpu.memory_space<vmem_shared>>
      tpu.enqueue_indirect_dma source(%arg10 : memref<128x128xf32, #tpu.memory_space<vmem>>) target(%dma_start3A_89 : memref<10240x128xf32, #tpu.memory_space<vmem_shared>>) offsets(%dma_start3A_86 : memref<128xi32, #tpu.memory_space<vmem>>) semaphore(%arg13 : memref<!tpu.dma_semaphore, #tpu.memory_space<semaphore_mem>>) {add = true}
      %mul3A_90 = arith.constant 2 : i32
      %mul3A_91 = arith.muli %scan3A_31, %mul3A_90 : i32
      %add3A_92 = arith.constant 0 : i32
      %add3A_93 = arith.addi %mul3A_91, %add3A_92 : i32
      %dma_wait3A_94 = arith.constant 0 : i32
      %dma_wait3A_95 = tpu.memref_slice %arg8[%add3A_93, %dma_wait3A_94] : memref<40x128xi32, #tpu.memory_space<vmem>> -> memref<1x128xi32, #tpu.memory_space<vmem>>
      %dma_wait3A_96 = tpu.memref_squeeze %dma_wait3A_95 : memref<1x128xi32, #tpu.memory_space<vmem>> -> memref<128xi32, #tpu.memory_space<vmem>>
      %dma_wait3A_97 = arith.constant 0 : i32
      %dma_wait3A_98 = arith.constant 0 : i32
      %dma_wait3A_99 = tpu.memref_slice %arg11[%dma_wait3A_97, %dma_wait3A_98] : memref<10240x128xf32, #tpu.memory_space<vmem_shared>> -> memref<10240x128xf32, #tpu.memory_space<vmem_shared>>
      tpu.wait_indirect_dma semaphore(%arg13 : memref<!tpu.dma_semaphore, #tpu.memory_space<semaphore_mem>>) src(%arg9 : memref<128x128xf32, #tpu.memory_space<vmem>>) dst(%dma_wait3A_99 : memref<10240x128xf32, #tpu.memory_space<vmem_shared>>)
      %mul3A_100 = arith.constant 2 : i32
      %mul3A_101 = arith.muli %scan3A_31, %mul3A_100 : i32
      %add3A_102 = arith.constant 1 : i32
      %add3A_103 = arith.addi %mul3A_101, %add3A_102 : i32
      %dma_wait3A_104 = arith.constant 0 : i32
      %dma_wait3A_105 = tpu.memref_slice %arg8[%add3A_103, %dma_wait3A_104] : memref<40x128xi32, #tpu.memory_space<vmem>> -> memref<1x128xi32, #tpu.memory_space<vmem>>
      %dma_wait3A_106 = tpu.memref_squeeze %dma_wait3A_105 : memref<1x128xi32, #tpu.memory_space<vmem>> -> memref<128xi32, #tpu.memory_space<vmem>>
      %dma_wait3A_107 = arith.constant 0 : i32
      %dma_wait3A_108 = arith.constant 0 : i32
      %dma_wait3A_109 = tpu.memref_slice %arg11[%dma_wait3A_107, %dma_wait3A_108] : memref<10240x128xf32, #tpu.memory_space<vmem_shared>> -> memref<10240x128xf32, #tpu.memory_space<vmem_shared>>
      tpu.wait_indirect_dma semaphore(%arg13 : memref<!tpu.dma_semaphore, #tpu.memory_space<semaphore_mem>>) src(%arg10 : memref<128x128xf32, #tpu.memory_space<vmem>>) dst(%dma_wait3A_109 : memref<10240x128xf32, #tpu.memory_space<vmem_shared>>)
    }
    %scan3A_15 = arith.constant 20 : i32
    %mul3A_16 = arith.constant 80 : i32
    %mul3A_17 = arith.muli %add3A, %mul3A_16 : i32
    %add3A_18 = arith.constant 40 : i32
    %add3A_19 = arith.addi %mul3A_17, %add3A_18 : i32
    "tpu.region"() ({
      %run_scoped3A = tpu.sem_alloc : memref<!tpu.dma_semaphore, #tpu.memory_space<semaphore_mem>>
      %dma_start3A = arith.constant 0 : i32
      %dma_start3A_31 = tpu.memref_slice %arg3[%add3A_19, %dma_start3A] : memref<2560x128xi32, #tpu.memory_space<hbm>> -> memref<40x128xi32, #tpu.memory_space<hbm>>
      %dma_start3A_32 = arith.constant 0 : i32
      %dma_start3A_33 = tpu.memref_slice %arg3[%add3A_19, %dma_start3A_32] : memref<2560x128xi32, #tpu.memory_space<hbm>> -> memref<40x128xi32, #tpu.memory_space<hbm>>
      tpu.enqueue_dma source(%dma_start3A_33 : memref<40x128xi32, #tpu.memory_space<hbm>>) target(%arg7 : memref<40x128xi32, #tpu.memory_space<vmem>>) target_semaphore(%run_scoped3A : memref<!tpu.dma_semaphore, #tpu.memory_space<semaphore_mem>>)
      %dma_wait3A = arith.constant 0 : i32
      %dma_wait3A_34 = tpu.memref_slice %arg3[%add3A_19, %dma_wait3A] : memref<2560x128xi32, #tpu.memory_space<hbm>> -> memref<40x128xi32, #tpu.memory_space<hbm>>
      %dma_wait3A_35 = arith.constant 0 : i32
      %dma_wait3A_36 = tpu.memref_slice %arg3[%add3A_19, %dma_wait3A_35] : memref<2560x128xi32, #tpu.memory_space<hbm>> -> memref<40x128xi32, #tpu.memory_space<hbm>>
      tpu.wait_dma2 semaphore(%run_scoped3A : memref<!tpu.dma_semaphore, #tpu.memory_space<semaphore_mem>>) src(%dma_wait3A_36 : memref<40x128xi32, #tpu.memory_space<hbm>>) dst(%arg7 : memref<40x128xi32, #tpu.memory_space<vmem>>)
      tpu.yield
    }) : () -> ()
    %mul3A_20 = arith.constant 80 : i32
    %mul3A_21 = arith.muli %add3A, %mul3A_20 : i32
    %add3A_22 = arith.constant 40 : i32
    %add3A_23 = arith.addi %mul3A_21, %add3A_22 : i32
    "tpu.region"() ({
      %run_scoped3A = tpu.sem_alloc : memref<!tpu.dma_semaphore, #tpu.memory_space<semaphore_mem>>
      %dma_start3A = arith.constant 0 : i32
      %dma_start3A_31 = tpu.memref_slice %arg4[%add3A_23, %dma_start3A] : memref<2560x128xi32, #tpu.memory_space<hbm>> -> memref<40x128xi32, #tpu.memory_space<hbm>>
      %dma_start3A_32 = arith.constant 0 : i32
      %dma_start3A_33 = tpu.memref_slice %arg4[%add3A_23, %dma_start3A_32] : memref<2560x128xi32, #tpu.memory_space<hbm>> -> memref<40x128xi32, #tpu.memory_space<hbm>>
      tpu.enqueue_dma source(%dma_start3A_33 : memref<40x128xi32, #tpu.memory_space<hbm>>) target(%arg8 : memref<40x128xi32, #tpu.memory_space<vmem>>) target_semaphore(%run_scoped3A : memref<!tpu.dma_semaphore, #tpu.memory_space<semaphore_mem>>)
      %dma_wait3A = arith.constant 0 : i32
      %dma_wait3A_34 = tpu.memref_slice %arg4[%add3A_23, %dma_wait3A] : memref<2560x128xi32, #tpu.memory_space<hbm>> -> memref<40x128xi32, #tpu.memory_space<hbm>>
      %dma_wait3A_35 = arith.constant 0 : i32
      %dma_wait3A_36 = tpu.memref_slice %arg4[%add3A_23, %dma_wait3A_35] : memref<2560x128xi32, #tpu.memory_space<hbm>> -> memref<40x128xi32, #tpu.memory_space<hbm>>
      tpu.wait_dma2 semaphore(%run_scoped3A : memref<!tpu.dma_semaphore, #tpu.memory_space<semaphore_mem>>) src(%dma_wait3A_36 : memref<40x128xi32, #tpu.memory_space<hbm>>) dst(%arg8 : memref<40x128xi32, #tpu.memory_space<vmem>>)
      tpu.yield
    }) : () -> ()
    %scan3A_24 = arith.constant 0 : i32
    %scan3A_25 = arith.constant 0 : i32
    %scan3A_26 = arith.constant 20 : i32
    %scan3A_27 = arith.addi %scan3A_25, %scan3A_26 : i32
    %scan3A_28 = arith.constant 1 : i32
    scf.for %scan3A_31 = %scan3A_25 to %scan3A_27 step %scan3A_28  : i32 {
      %mul3A_32 = arith.constant 2 : i32
      %mul3A_33 = arith.muli %scan3A_31, %mul3A_32 : i32
      %add3A_34 = arith.constant 0 : i32
      %add3A_35 = arith.addi %mul3A_33, %add3A_34 : i32
      %dma_start3A = arith.constant 0 : i32
      %dma_start3A_36 = tpu.memref_slice %arg7[%add3A_35, %dma_start3A] : memref<40x128xi32, #tpu.memory_space<vmem>> -> memref<1x128xi32, #tpu.memory_space<vmem>>
      %dma_start3A_37 = tpu.memref_squeeze %dma_start3A_36 : memref<1x128xi32, #tpu.memory_space<vmem>> -> memref<128xi32, #tpu.memory_space<vmem>>
      %dma_start3A_38 = arith.constant 0 : i32
      %dma_start3A_39 = arith.constant 0 : i32
      %dma_start3A_40 = tpu.memref_slice %arg2[%dma_start3A_38, %dma_start3A_39] : memref<10240x128xf32, #tpu.memory_space<hbm>> -> memref<10240x128xf32, #tpu.memory_space<hbm>>
      tpu.enqueue_indirect_dma source(%dma_start3A_40 : memref<10240x128xf32, #tpu.memory_space<hbm>>) target(%arg9 : memref<128x128xf32, #tpu.memory_space<vmem>>) offsets(%dma_start3A_37 : memref<128xi32, #tpu.memory_space<vmem>>) semaphore(%arg12 : memref<!tpu.dma_semaphore, #tpu.memory_space<semaphore_mem>>)
      %mul3A_41 = arith.constant 2 : i32
      %mul3A_42 = arith.muli %scan3A_31, %mul3A_41 : i32
      %add3A_43 = arith.constant 1 : i32
      %add3A_44 = arith.addi %mul3A_42, %add3A_43 : i32
      %dma_start3A_45 = arith.constant 0 : i32
      %dma_start3A_46 = tpu.memref_slice %arg7[%add3A_44, %dma_start3A_45] : memref<40x128xi32, #tpu.memory_space<vmem>> -> memref<1x128xi32, #tpu.memory_space<vmem>>
      %dma_start3A_47 = tpu.memref_squeeze %dma_start3A_46 : memref<1x128xi32, #tpu.memory_space<vmem>> -> memref<128xi32, #tpu.memory_space<vmem>>
      %dma_start3A_48 = arith.constant 0 : i32
      %dma_start3A_49 = arith.constant 0 : i32
      %dma_start3A_50 = tpu.memref_slice %arg2[%dma_start3A_48, %dma_start3A_49] : memref<10240x128xf32, #tpu.memory_space<hbm>> -> memref<10240x128xf32, #tpu.memory_space<hbm>>
      tpu.enqueue_indirect_dma source(%dma_start3A_50 : memref<10240x128xf32, #tpu.memory_space<hbm>>) target(%arg10 : memref<128x128xf32, #tpu.memory_space<vmem>>) offsets(%dma_start3A_47 : memref<128xi32, #tpu.memory_space<vmem>>) semaphore(%arg12 : memref<!tpu.dma_semaphore, #tpu.memory_space<semaphore_mem>>)
      %mul3A_51 = arith.constant 2 : i32
      %mul3A_52 = arith.muli %scan3A_31, %mul3A_51 : i32
      %add3A_53 = arith.constant 0 : i32
      %add3A_54 = arith.addi %mul3A_52, %add3A_53 : i32
      %dma_wait3A = arith.constant 0 : i32
      %dma_wait3A_55 = tpu.memref_slice %arg7[%add3A_54, %dma_wait3A] : memref<40x128xi32, #tpu.memory_space<vmem>> -> memref<1x128xi32, #tpu.memory_space<vmem>>
      %dma_wait3A_56 = tpu.memref_squeeze %dma_wait3A_55 : memref<1x128xi32, #tpu.memory_space<vmem>> -> memref<128xi32, #tpu.memory_space<vmem>>
      %dma_wait3A_57 = arith.constant 0 : i32
      %dma_wait3A_58 = arith.constant 0 : i32
      %dma_wait3A_59 = tpu.memref_slice %arg2[%dma_wait3A_57, %dma_wait3A_58] : memref<10240x128xf32, #tpu.memory_space<hbm>> -> memref<10240x128xf32, #tpu.memory_space<hbm>>
      tpu.wait_indirect_dma semaphore(%arg12 : memref<!tpu.dma_semaphore, #tpu.memory_space<semaphore_mem>>) src(%dma_wait3A_59 : memref<10240x128xf32, #tpu.memory_space<hbm>>) dst(%arg9 : memref<128x128xf32, #tpu.memory_space<vmem>>)
      %mul3A_60 = arith.constant 2 : i32
      %mul3A_61 = arith.muli %scan3A_31, %mul3A_60 : i32
      %add3A_62 = arith.constant 1 : i32
      %add3A_63 = arith.addi %mul3A_61, %add3A_62 : i32
      %dma_wait3A_64 = arith.constant 0 : i32
      %dma_wait3A_65 = tpu.memref_slice %arg7[%add3A_63, %dma_wait3A_64] : memref<40x128xi32, #tpu.memory_space<vmem>> -> memref<1x128xi32, #tpu.memory_space<vmem>>
      %dma_wait3A_66 = tpu.memref_squeeze %dma_wait3A_65 : memref<1x128xi32, #tpu.memory_space<vmem>> -> memref<128xi32, #tpu.memory_space<vmem>>
      %dma_wait3A_67 = arith.constant 0 : i32
      %dma_wait3A_68 = arith.constant 0 : i32
      %dma_wait3A_69 = tpu.memref_slice %arg2[%dma_wait3A_67, %dma_wait3A_68] : memref<10240x128xf32, #tpu.memory_space<hbm>> -> memref<10240x128xf32, #tpu.memory_space<hbm>>
      tpu.wait_indirect_dma semaphore(%arg12 : memref<!tpu.dma_semaphore, #tpu.memory_space<semaphore_mem>>) src(%dma_wait3A_69 : memref<10240x128xf32, #tpu.memory_space<hbm>>) dst(%arg10 : memref<128x128xf32, #tpu.memory_space<vmem>>)
      %mul3A_70 = arith.constant 2 : i32
      %mul3A_71 = arith.muli %scan3A_31, %mul3A_70 : i32
      %add3A_72 = arith.constant 0 : i32
      %add3A_73 = arith.addi %mul3A_71, %add3A_72 : i32
      %dma_start3A_74 = arith.constant 0 : i32
      %dma_start3A_75 = tpu.memref_slice %arg8[%add3A_73, %dma_start3A_74] : memref<40x128xi32, #tpu.memory_space<vmem>> -> memref<1x128xi32, #tpu.memory_space<vmem>>
      %dma_start3A_76 = tpu.memref_squeeze %dma_start3A_75 : memref<1x128xi32, #tpu.memory_space<vmem>> -> memref<128xi32, #tpu.memory_space<vmem>>
      %dma_start3A_77 = arith.constant 0 : i32
      %dma_start3A_78 = arith.constant 0 : i32
      %dma_start3A_79 = tpu.memref_slice %arg11[%dma_start3A_77, %dma_start3A_78] : memref<10240x128xf32, #tpu.memory_space<vmem_shared>> -> memref<10240x128xf32, #tpu.memory_space<vmem_shared>>
      tpu.enqueue_indirect_dma source(%arg9 : memref<128x128xf32, #tpu.memory_space<vmem>>) target(%dma_start3A_79 : memref<10240x128xf32, #tpu.memory_space<vmem_shared>>) offsets(%dma_start3A_76 : memref<128xi32, #tpu.memory_space<vmem>>) semaphore(%arg13 : memref<!tpu.dma_semaphore, #tpu.memory_space<semaphore_mem>>) {add = true}
      %mul3A_80 = arith.constant 2 : i32
      %mul3A_81 = arith.muli %scan3A_31, %mul3A_80 : i32
      %add3A_82 = arith.constant 1 : i32
      %add3A_83 = arith.addi %mul3A_81, %add3A_82 : i32
      %dma_start3A_84 = arith.constant 0 : i32
      %dma_start3A_85 = tpu.memref_slice %arg8[%add3A_83, %dma_start3A_84] : memref<40x128xi32, #tpu.memory_space<vmem>> -> memref<1x128xi32, #tpu.memory_space<vmem>>
      %dma_start3A_86 = tpu.memref_squeeze %dma_start3A_85 : memref<1x128xi32, #tpu.memory_space<vmem>> -> memref<128xi32, #tpu.memory_space<vmem>>
      %dma_start3A_87 = arith.constant 0 : i32
      %dma_start3A_88 = arith.constant 0 : i32
      %dma_start3A_89 = tpu.memref_slice %arg11[%dma_start3A_87, %dma_start3A_88] : memref<10240x128xf32, #tpu.memory_space<vmem_shared>> -> memref<10240x128xf32, #tpu.memory_space<vmem_shared>>
      tpu.enqueue_indirect_dma source(%arg10 : memref<128x128xf32, #tpu.memory_space<vmem>>) target(%dma_start3A_89 : memref<10240x128xf32, #tpu.memory_space<vmem_shared>>) offsets(%dma_start3A_86 : memref<128xi32, #tpu.memory_space<vmem>>) semaphore(%arg13 : memref<!tpu.dma_semaphore, #tpu.memory_space<semaphore_mem>>) {add = true}
      %mul3A_90 = arith.constant 2 : i32
      %mul3A_91 = arith.muli %scan3A_31, %mul3A_90 : i32
      %add3A_92 = arith.constant 0 : i32
      %add3A_93 = arith.addi %mul3A_91, %add3A_92 : i32
      %dma_wait3A_94 = arith.constant 0 : i32
      %dma_wait3A_95 = tpu.memref_slice %arg8[%add3A_93, %dma_wait3A_94] : memref<40x128xi32, #tpu.memory_space<vmem>> -> memref<1x128xi32, #tpu.memory_space<vmem>>
      %dma_wait3A_96 = tpu.memref_squeeze %dma_wait3A_95 : memref<1x128xi32, #tpu.memory_space<vmem>> -> memref<128xi32, #tpu.memory_space<vmem>>
      %dma_wait3A_97 = arith.constant 0 : i32
      %dma_wait3A_98 = arith.constant 0 : i32
      %dma_wait3A_99 = tpu.memref_slice %arg11[%dma_wait3A_97, %dma_wait3A_98] : memref<10240x128xf32, #tpu.memory_space<vmem_shared>> -> memref<10240x128xf32, #tpu.memory_space<vmem_shared>>
      tpu.wait_indirect_dma semaphore(%arg13 : memref<!tpu.dma_semaphore, #tpu.memory_space<semaphore_mem>>) src(%arg9 : memref<128x128xf32, #tpu.memory_space<vmem>>) dst(%dma_wait3A_99 : memref<10240x128xf32, #tpu.memory_space<vmem_shared>>)
      %mul3A_100 = arith.constant 2 : i32
      %mul3A_101 = arith.muli %scan3A_31, %mul3A_100 : i32
      %add3A_102 = arith.constant 1 : i32
      %add3A_103 = arith.addi %mul3A_101, %add3A_102 : i32
      %dma_wait3A_104 = arith.constant 0 : i32
      %dma_wait3A_105 = tpu.memref_slice %arg8[%add3A_103, %dma_wait3A_104] : memref<40x128xi32, #tpu.memory_space<vmem>> -> memref<1x128xi32, #tpu.memory_space<vmem>>
      %dma_wait3A_106 = tpu.memref_squeeze %dma_wait3A_105 : memref<1x128xi32, #tpu.memory_space<vmem>> -> memref<128xi32, #tpu.memory_space<vmem>>
      %dma_wait3A_107 = arith.constant 0 : i32
      %dma_wait3A_108 = arith.constant 0 : i32
      %dma_wait3A_109 = tpu.memref_slice %arg11[%dma_wait3A_107, %dma_wait3A_108] : memref<10240x128xf32, #tpu.memory_space<vmem_shared>> -> memref<10240x128xf32, #tpu.memory_space<vmem_shared>>
      tpu.wait_indirect_dma semaphore(%arg13 : memref<!tpu.dma_semaphore, #tpu.memory_space<semaphore_mem>>) src(%arg10 : memref<128x128xf32, #tpu.memory_space<vmem>>) dst(%dma_wait3A_109 : memref<10240x128xf32, #tpu.memory_space<vmem_shared>>)
    }
    %scan3A_29 = arith.constant 20 : i32
    %barrier3A_30 = arith.constant 0 : index
    tpu.barrier barrier_id(%barrier3A_30)
    "tpu.region"() ({
      %run_scoped3A = tpu.sem_alloc : memref<!tpu.dma_semaphore, #tpu.memory_space<semaphore_mem>>
      %dma_start3A = arith.constant 0 : i32
      %dma_start3A_31 = arith.constant 0 : i32
      %dma_start3A_32 = tpu.memref_slice %arg6[%arg0, %dma_start3A, %dma_start3A_31] : memref<2x10240x128xf32, #tpu.memory_space<hbm>> -> memref<1x10240x128xf32, #tpu.memory_space<hbm>>
      %dma_start3A_33 = tpu.memref_squeeze %dma_start3A_32 : memref<1x10240x128xf32, #tpu.memory_space<hbm>> -> memref<10240x128xf32, #tpu.memory_space<hbm>>
      %dma_start3A_34 = arith.constant 0 : i32
      %dma_start3A_35 = tpu.memref_slice %dma_start3A_33[%mul3A_2, %dma_start3A_34] : memref<10240x128xf32, #tpu.memory_space<hbm>> -> memref<640x128xf32, #tpu.memory_space<hbm>>
      %dma_start3A_36 = arith.constant 0 : i32
      %dma_start3A_37 = tpu.memref_slice %arg11[%mul3A_2, %dma_start3A_36] : memref<10240x128xf32, #tpu.memory_space<vmem_shared>> -> memref<640x128xf32, #tpu.memory_space<vmem_shared>>
      tpu.enqueue_dma source(%dma_start3A_37 : memref<640x128xf32, #tpu.memory_space<vmem_shared>>) target(%dma_start3A_35 : memref<640x128xf32, #tpu.memory_space<hbm>>) target_semaphore(%run_scoped3A : memref<!tpu.dma_semaphore, #tpu.memory_space<semaphore_mem>>)
      %dma_wait3A = arith.constant 0 : i32
      %dma_wait3A_38 = arith.constant 0 : i32
      %dma_wait3A_39 = tpu.memref_slice %arg6[%arg0, %dma_wait3A, %dma_wait3A_38] : memref<2x10240x128xf32, #tpu.memory_space<hbm>> -> memref<1x10240x128xf32, #tpu.memory_space<hbm>>
      %dma_wait3A_40 = tpu.memref_squeeze %dma_wait3A_39 : memref<1x10240x128xf32, #tpu.memory_space<hbm>> -> memref<10240x128xf32, #tpu.memory_space<hbm>>
      %dma_wait3A_41 = arith.constant 0 : i32
      %dma_wait3A_42 = tpu.memref_slice %dma_wait3A_40[%mul3A_2, %dma_wait3A_41] : memref<10240x128xf32, #tpu.memory_space<hbm>> -> memref<640x128xf32, #tpu.memory_space<hbm>>
      %dma_wait3A_43 = arith.constant 0 : i32
      %dma_wait3A_44 = tpu.memref_slice %arg11[%mul3A_2, %dma_wait3A_43] : memref<10240x128xf32, #tpu.memory_space<vmem_shared>> -> memref<640x128xf32, #tpu.memory_space<vmem_shared>>
      tpu.wait_dma2 semaphore(%run_scoped3A : memref<!tpu.dma_semaphore, #tpu.memory_space<semaphore_mem>>) src(%dma_wait3A_44 : memref<640x128xf32, #tpu.memory_space<vmem_shared>>) dst(%dma_wait3A_42 : memref<640x128xf32, #tpu.memory_space<hbm>>)
      tpu.yield
    }) : () -> ()
    return
  }
}

module attributes {stable_mosaic.version = 14 : i64} {
  func.func @_mm1_body(%arg0: i32, %arg1: memref<1024x128xf32, #tpu.memory_space<vmem>>, %arg2: memref<128x128xf32, #tpu.memory_space<vmem>>, %arg3: memref<2x1024x128xf32, #tpu.memory_space<vmem>>, %arg4: memref<1024x128xf32, #tpu.memory_space<vmem>>) attributes {dimension_semantics = [#tpu.dimension_semantics<arbitrary>], iteration_bounds = array<i64: 10>, scalar_prefetch = 0 : i64, scratch_operands = 0 : i64, tpu.core_type = #tpu.core_type<tc>, window_params = [{transform_indices = @transform_0, window_bounds = array<i64: 1024, 128>}, {pipeline_mode = #tpu.pipeline_mode<synchronous>, transform_indices = @transform_1, window_bounds = array<i64: 128, 128>}, {transform_indices = @transform_2, window_bounds = array<i64: 2, 1024, 128>}, {transform_indices = @transform_3, window_bounds = array<i64: 1024, 128>}]} {
    %get3A = arith.constant 0 : index
    %get3A_0 = arith.constant 0 : index
    %get3A_1 = vector.load %arg1[%get3A, %get3A_0] : memref<1024x128xf32, #tpu.memory_space<vmem>>, vector<1024x128xf32>
    %get3A_2 = arith.constant 0 : index
    %get3A_3 = arith.constant 0 : index
    %get3A_4 = vector.load %arg2[%get3A_2, %get3A_3] : memref<128x128xf32, #tpu.memory_space<vmem>>, vector<128x128xf32>
    %dot_general3A = arith.constant dense<0.000000e+00> : vector<1024x128xf32>
    %dot_general3A_5 = tpu.matmul %get3A_1, %get3A_4, %dot_general3A {dimension_numbers = #tpu.dot_dimension_numbers<[1], [0], [0], [1], [0, 0, 1, 1], [], []>, transpose_lhs_hint = false} : vector<1024x128xf32>, vector<128x128xf32>, vector<1024x128xf32> -> vector<1024x128xf32>
    %get3A_6 = arith.constant 0 : index
    %get3A_7 = arith.constant 0 : index
    %get3A_8 = arith.constant 0 : index
    %get3A_9 = vector.load %arg3[%get3A_6, %get3A_7, %get3A_8] : memref<2x1024x128xf32, #tpu.memory_space<vmem>>, vector<1x1024x1xf32>
    %get3A_10 = vector.shape_cast %get3A_9 : vector<1x1024x1xf32> to vector<1024xf32>
    %get3A_11 = arith.constant 1 : index
    %get3A_12 = arith.constant 0 : index
    %get3A_13 = arith.constant 0 : index
    %get3A_14 = vector.load %arg3[%get3A_11, %get3A_12, %get3A_13] : memref<2x1024x128xf32, #tpu.memory_space<vmem>>, vector<1x1024x1xf32>
    %get3A_15 = vector.shape_cast %get3A_14 : vector<1x1024x1xf32> to vector<1024xf32>
    %add3A = arith.addf %get3A_10, %get3A_15 : vector<1024xf32>
    %add3A_16 = arith.constant 1.000000e+00 : f32
    %add3A_17 = vector.broadcast %add3A_16 : f32 to vector<1024xf32>
    %add3A_18 = arith.addf %add3A, %add3A_17 : vector<1024xf32>
    %rsqrt3A = math.rsqrt %add3A_18 : vector<1024xf32>
    %broadcast_in_dim3A = vector.shape_cast %rsqrt3A : vector<1024xf32> to vector<1024x1xf32>
    %mul3A = vector.broadcast %broadcast_in_dim3A : vector<1024x1xf32> to vector<1024x128xf32>
    %mul3A_19 = arith.mulf %dot_general3A_5, %mul3A : vector<1024x128xf32>
    %swap3A = arith.constant 0 : index
    %swap3A_20 = arith.constant 0 : index
    %swap3A_21 = vector.load %arg4[%swap3A, %swap3A_20] : memref<1024x128xf32, #tpu.memory_space<vmem>>, vector<1024x128xf32>
    tpu.vector_store %arg4[%swap3A, %swap3A_20], %mul3A_19 {strides = array<i32>} : memref<1024x128xf32, #tpu.memory_space<vmem>>, vector<1024x128xf32>,
    return
  }
  func.func @transform_0(%arg0: i32) -> (i32, i32) {
    %c0_i32 = arith.constant 0 : i32
    %c0_i32_0 = arith.constant 0 : i32
    return %arg0, %c0_i32 : i32, i32
  }
  func.func @transform_1(%arg0: i32) -> (i32, i32) {
    %c0_i32 = arith.constant 0 : i32
    %c0_i32_0 = arith.constant 0 : i32
    %c0_i32_1 = arith.constant 0 : i32
    return %c0_i32, %c0_i32_0 : i32, i32
  }
  func.func @transform_2(%arg0: i32) -> (i32, i32, i32) {
    %c0_i32 = arith.constant 0 : i32
    %c0_i32_0 = arith.constant 0 : i32
    %c0_i32_1 = arith.constant 0 : i32
    return %c0_i32, %arg0, %c0_i32_0 : i32, i32, i32
  }
  func.func @transform_3(%arg0: i32) -> (i32, i32) {
    %c0_i32 = arith.constant 0 : i32
    %c0_i32_0 = arith.constant 0 : i32
    return %arg0, %c0_i32 : i32, i32
  }
}

module attributes {stable_mosaic.version = 14 : i64} {
  func.func @_fin_body(%arg0: i32, %arg1: memref<2x1024x128xf32, #tpu.memory_space<vmem>>, %arg2: memref<1024x128xf32, #tpu.memory_space<vmem>>, %arg3: memref<2x1024x128xf32, #tpu.memory_space<vmem>>, %arg4: memref<1x64xf32, #tpu.memory_space<vmem>>, %arg5: memref<1024x64xf32, #tpu.memory_space<vmem>>) attributes {dimension_semantics = [#tpu.dimension_semantics<arbitrary>], iteration_bounds = array<i64: 10>, scalar_prefetch = 0 : i64, scratch_operands = 0 : i64, tpu.core_type = #tpu.core_type<tc>, window_params = [{transform_indices = @transform_0, window_bounds = array<i64: 2, 1024, 128>}, {transform_indices = @transform_1, window_bounds = array<i64: 1024, 128>}, {transform_indices = @transform_2, window_bounds = array<i64: 2, 1024, 128>}, {pipeline_mode = #tpu.pipeline_mode<synchronous>, transform_indices = @transform_3, window_bounds = array<i64: 1, 64>}, {transform_indices = @transform_4, window_bounds = array<i64: 1024, 64>}]} {
    %get3A = arith.constant 0 : index
    %get3A_0 = arith.constant 0 : index
    %get3A_1 = arith.constant 0 : index
    %get3A_2 = vector.load %arg1[%get3A, %get3A_0, %get3A_1] : memref<2x1024x128xf32, #tpu.memory_space<vmem>>, vector<1x1024x64xf32>
    %get3A_3 = vector.shape_cast %get3A_2 : vector<1x1024x64xf32> to vector<1024x64xf32>
    %get3A_4 = arith.constant 1 : index
    %get3A_5 = arith.constant 0 : index
    %get3A_6 = arith.constant 0 : index
    %get3A_7 = vector.load %arg1[%get3A_4, %get3A_5, %get3A_6] : memref<2x1024x128xf32, #tpu.memory_space<vmem>>, vector<1x1024x64xf32>
    %get3A_8 = vector.shape_cast %get3A_7 : vector<1x1024x64xf32> to vector<1024x64xf32>
    %add3A = arith.addf %get3A_3, %get3A_8 : vector<1024x64xf32>
    %get3A_9 = arith.constant 0 : index
    %get3A_10 = arith.constant 0 : index
    %get3A_11 = vector.load %arg2[%get3A_9, %get3A_10] : memref<1024x128xf32, #tpu.memory_space<vmem>>, vector<1024x64xf32>
    %add3A_12 = arith.addf %add3A, %get3A_11 : vector<1024x64xf32>
    %get3A_13 = arith.constant 0 : index
    %get3A_14 = arith.constant 0 : index
    %get3A_15 = arith.constant 0 : index
    %get3A_16 = vector.load %arg3[%get3A_13, %get3A_14, %get3A_15] : memref<2x1024x128xf32, #tpu.memory_space<vmem>>, vector<1x1024x1xf32>
    %get3A_17 = vector.shape_cast %get3A_16 : vector<1x1024x1xf32> to vector<1024xf32>
    %get3A_18 = arith.constant 1 : index
    %get3A_19 = arith.constant 0 : index
    %get3A_20 = arith.constant 0 : index
    %get3A_21 = vector.load %arg3[%get3A_18, %get3A_19, %get3A_20] : memref<2x1024x128xf32, #tpu.memory_space<vmem>>, vector<1x1024x1xf32>
    %get3A_22 = vector.shape_cast %get3A_21 : vector<1x1024x1xf32> to vector<1024xf32>
    %add3A_23 = arith.addf %get3A_17, %get3A_22 : vector<1024xf32>
    %add3A_24 = arith.constant 1.000000e+00 : f32
    %add3A_25 = vector.broadcast %add3A_24 : f32 to vector<1024xf32>
    %add3A_26 = arith.addf %add3A_23, %add3A_25 : vector<1024xf32>
    %rsqrt3A = math.rsqrt %add3A_26 : vector<1024xf32>
    %broadcast_in_dim3A = vector.shape_cast %rsqrt3A : vector<1024xf32> to vector<1024x1xf32>
    %mul3A = vector.broadcast %broadcast_in_dim3A : vector<1024x1xf32> to vector<1024x64xf32>
    %mul3A_27 = arith.mulf %add3A_12, %mul3A : vector<1024x64xf32>
    %get3A_28 = arith.constant 0 : index
    %get3A_29 = arith.constant 0 : index
    %get3A_30 = vector.load %arg4[%get3A_28, %get3A_29] : memref<1x64xf32, #tpu.memory_space<vmem>>, vector<1x64xf32>
    %add3A_31 = vector.broadcast %get3A_30 : vector<1x64xf32> to vector<1024x64xf32>
    %add3A_32 = arith.addf %mul3A_27, %add3A_31 : vector<1024x64xf32>
    %reduce_max3A = arith.constant dense<0xFF800000> : vector<1024xf32>
    %reduce_max3A_33 = vector.multi_reduction <maximumf>, %add3A_32, %reduce_max3A [1] : vector<1024x64xf32> to vector<1024xf32>
    %broadcast_in_dim3A_34 = vector.shape_cast %reduce_max3A_33 : vector<1024xf32> to vector<1024x1xf32>
    %sub3A = vector.broadcast %broadcast_in_dim3A_34 : vector<1024x1xf32> to vector<1024x64xf32>
    %sub3A_35 = arith.subf %add3A_32, %sub3A : vector<1024x64xf32>
    %exp3A = math.exp %sub3A_35 : vector<1024x64xf32>
    %reduce_sum3A = arith.constant dense<0.000000e+00> : vector<1024xf32>
    %reduce_sum3A_36 = vector.multi_reduction <add>, %exp3A, %reduce_sum3A [1] : vector<1024x64xf32> to vector<1024xf32>
    %broadcast_in_dim3A_37 = vector.shape_cast %reduce_sum3A_36 : vector<1024xf32> to vector<1024x1xf32>
    %log3A = math.log %broadcast_in_dim3A_37 : vector<1024x1xf32>
    %sub3A_38 = vector.broadcast %log3A : vector<1024x1xf32> to vector<1024x64xf32>
    %sub3A_39 = arith.subf %sub3A_35, %sub3A_38 : vector<1024x64xf32>
    %swap3A = arith.constant 0 : index
    %swap3A_40 = arith.constant 0 : index
    %swap3A_41 = vector.load %arg5[%swap3A, %swap3A_40] : memref<1024x64xf32, #tpu.memory_space<vmem>>, vector<1024x64xf32>
    tpu.vector_store %arg5[%swap3A, %swap3A_40], %sub3A_39 {strides = array<i32>} : memref<1024x64xf32, #tpu.memory_space<vmem>>, vector<1024x64xf32>,
    return
  }
  func.func @transform_0(%arg0: i32) -> (i32, i32, i32) {
    %c0_i32 = arith.constant 0 : i32
    %c0_i32_0 = arith.constant 0 : i32
    %c0_i32_1 = arith.constant 0 : i32
    return %c0_i32, %arg0, %c0_i32_0 : i32, i32, i32
  }
  func.func @transform_1(%arg0: i32) -> (i32, i32) {
    %c0_i32 = arith.constant 0 : i32
    %c0_i32_0 = arith.constant 0 : i32
    return %arg0, %c0_i32 : i32, i32
  }
  func.func @transform_2(%arg0: i32) -> (i32, i32, i32) {
    %c0_i32 = arith.constant 0 : i32
    %c0_i32_0 = arith.constant 0 : i32
    %c0_i32_1 = arith.constant 0 : i32
    return %c0_i32, %arg0, %c0_i32_0 : i32, i32, i32
  }
  func.func @transform_3(%arg0: i32) -> (i32, i32) {
    %c0_i32 = arith.constant 0 : i32
    %c0_i32_0 = arith.constant 0 : i32
    %c0_i32_1 = arith.constant 0 : i32
    return %c0_i32, %c0_i32_0 : i32, i32
  }
  func.func @transform_4(%arg0: i32) -> (i32, i32) {
    %c0_i32 = arith.constant 0 : i32
    %c0_i32_0 = arith.constant 0 : i32
    return %arg0, %c0_i32 : i32, i32
  }
}

module attributes {stable_mosaic.version = 14 : i64} {
  func.func @_mm2_body(%arg0: i32, %arg1: memref<2x1024x128xf32, #tpu.memory_space<vmem>>, %arg2: memref<1024x128xf32, #tpu.memory_space<vmem>>, %arg3: memref<2x1024x128xf32, #tpu.memory_space<vmem>>, %arg4: memref<1x128xf32, #tpu.memory_space<vmem>>, %arg5: memref<128x64xf32, #tpu.memory_space<vmem>>, %arg6: memref<1024x128xf32, #tpu.memory_space<vmem>>) attributes {dimension_semantics = [#tpu.dimension_semantics<arbitrary>], iteration_bounds = array<i64: 10>, scalar_prefetch = 0 : i64, scratch_operands = 0 : i64, tpu.core_type = #tpu.core_type<tc>, window_params = [{transform_indices = @transform_0, window_bounds = array<i64: 2, 1024, 128>}, {transform_indices = @transform_1, window_bounds = array<i64: 1024, 128>}, {transform_indices = @transform_2, window_bounds = array<i64: 2, 1024, 128>}, {pipeline_mode = #tpu.pipeline_mode<synchronous>, transform_indices = @transform_3, window_bounds = array<i64: 1, 128>}, {pipeline_mode = #tpu.pipeline_mode<synchronous>, transform_indices = @transform_4, window_bounds = array<i64: 128, 64>}, {transform_indices = @transform_5, window_bounds = array<i64: 1024, 128>}]} {
    %get3A = arith.constant 0 : index
    %get3A_0 = arith.constant 0 : index
    %get3A_1 = arith.constant 0 : index
    %get3A_2 = vector.load %arg3[%get3A, %get3A_0, %get3A_1] : memref<2x1024x128xf32, #tpu.memory_space<vmem>>, vector<1x1024x1xf32>
    %get3A_3 = vector.shape_cast %get3A_2 : vector<1x1024x1xf32> to vector<1024xf32>
    %get3A_4 = arith.constant 1 : index
    %get3A_5 = arith.constant 0 : index
    %get3A_6 = arith.constant 0 : index
    %get3A_7 = vector.load %arg3[%get3A_4, %get3A_5, %get3A_6] : memref<2x1024x128xf32, #tpu.memory_space<vmem>>, vector<1x1024x1xf32>
    %get3A_8 = vector.shape_cast %get3A_7 : vector<1x1024x1xf32> to vector<1024xf32>
    %add3A = arith.addf %get3A_3, %get3A_8 : vector<1024xf32>
    %add3A_9 = arith.constant 1.000000e+00 : f32
    %add3A_10 = vector.broadcast %add3A_9 : f32 to vector<1024xf32>
    %add3A_11 = arith.addf %add3A, %add3A_10 : vector<1024xf32>
    %rsqrt3A = math.rsqrt %add3A_11 : vector<1024xf32>
    %broadcast_in_dim3A = vector.shape_cast %rsqrt3A : vector<1024xf32> to vector<1024x1xf32>
    %get3A_12 = arith.constant 0 : index
    %get3A_13 = arith.constant 0 : index
    %get3A_14 = arith.constant 0 : index
    %get3A_15 = vector.load %arg1[%get3A_12, %get3A_13, %get3A_14] : memref<2x1024x128xf32, #tpu.memory_space<vmem>>, vector<1x1024x128xf32>
    %get3A_16 = vector.shape_cast %get3A_15 : vector<1x1024x128xf32> to vector<1024x128xf32>
    %get3A_17 = arith.constant 1 : index
    %get3A_18 = arith.constant 0 : index
    %get3A_19 = arith.constant 0 : index
    %get3A_20 = vector.load %arg1[%get3A_17, %get3A_18, %get3A_19] : memref<2x1024x128xf32, #tpu.memory_space<vmem>>, vector<1x1024x128xf32>
    %get3A_21 = vector.shape_cast %get3A_20 : vector<1x1024x128xf32> to vector<1024x128xf32>
    %add3A_22 = arith.addf %get3A_16, %get3A_21 : vector<1024x128xf32>
    %get3A_23 = arith.constant 0 : index
    %get3A_24 = arith.constant 0 : index
    %get3A_25 = vector.load %arg2[%get3A_23, %get3A_24] : memref<1024x128xf32, #tpu.memory_space<vmem>>, vector<1024x128xf32>
    %add3A_26 = arith.addf %add3A_22, %get3A_25 : vector<1024x128xf32>
    %mul3A = vector.broadcast %broadcast_in_dim3A : vector<1024x1xf32> to vector<1024x128xf32>
    %mul3A_27 = arith.mulf %add3A_26, %mul3A : vector<1024x128xf32>
    %get3A_28 = arith.constant 0 : index
    %get3A_29 = arith.constant 0 : index
    %get3A_30 = vector.load %arg4[%get3A_28, %get3A_29] : memref<1x128xf32, #tpu.memory_space<vmem>>, vector<1x128xf32>
    %add3A_31 = vector.broadcast %get3A_30 : vector<1x128xf32> to vector<1024x128xf32>
    %add3A_32 = arith.addf %mul3A_27, %add3A_31 : vector<1024x128xf32>
    %max3A = arith.constant 0.000000e+00 : f32
    %max3A_33 = vector.broadcast %max3A : f32 to vector<1024x128xf32>
    %max3A_34 = arith.maximumf %add3A_32, %max3A_33 : vector<1024x128xf32>
    %get3A_35 = arith.constant 0 : index
    %get3A_36 = arith.constant 0 : index
    %get3A_37 = vector.load %arg5[%get3A_35, %get3A_36] : memref<128x64xf32, #tpu.memory_space<vmem>>, vector<128x64xf32>
    %dot_general3A = arith.constant dense<0.000000e+00> : vector<1024x64xf32>
    %dot_general3A_38 = tpu.matmul %max3A_34, %get3A_37, %dot_general3A {dimension_numbers = #tpu.dot_dimension_numbers<[1], [0], [0], [1], [0, 0, 1, 1], [], []>, transpose_lhs_hint = false} : vector<1024x128xf32>, vector<128x64xf32>, vector<1024x64xf32> -> vector<1024x64xf32>
    %mul3A_39 = vector.broadcast %broadcast_in_dim3A : vector<1024x1xf32> to vector<1024x64xf32>
    %mul3A_40 = arith.mulf %dot_general3A_38, %mul3A_39 : vector<1024x64xf32>
    %broadcast_in_dim3A_41 = arith.constant 0.000000e+00 : f32
    %broadcast_in_dim3A_42 = vector.broadcast %broadcast_in_dim3A_41 : f32 to vector<1024x64xf32>
    %concatenate3A = tpu.concatenate %mul3A_40, %broadcast_in_dim3A_42 in 1 : vector<1024x64xf32>, vector<1024x64xf32> -> vector<1024x128xf32>
    %swap3A = arith.constant 0 : index
    %swap3A_43 = arith.constant 0 : index
    %swap3A_44 = vector.load %arg6[%swap3A, %swap3A_43] : memref<1024x128xf32, #tpu.memory_space<vmem>>, vector<1024x128xf32>
    tpu.vector_store %arg6[%swap3A, %swap3A_43], %concatenate3A {strides = array<i32>} : memref<1024x128xf32, #tpu.memory_space<vmem>>, vector<1024x128xf32>,
    return
  }
  func.func @transform_0(%arg0: i32) -> (i32, i32, i32) {
    %c0_i32 = arith.constant 0 : i32
    %c0_i32_0 = arith.constant 0 : i32
    %c0_i32_1 = arith.constant 0 : i32
    return %c0_i32, %arg0, %c0_i32_0 : i32, i32, i32
  }
  func.func @transform_1(%arg0: i32) -> (i32, i32) {
    %c0_i32 = arith.constant 0 : i32
    %c0_i32_0 = arith.constant 0 : i32
    return %arg0, %c0_i32 : i32, i32
  }
  func.func @transform_2(%arg0: i32) -> (i32, i32, i32) {
    %c0_i32 = arith.constant 0 : i32
    %c0_i32_0 = arith.constant 0 : i32
    %c0_i32_1 = arith.constant 0 : i32
    return %c0_i32, %arg0, %c0_i32_0 : i32, i32, i32
  }
  func.func @transform_3(%arg0: i32) -> (i32, i32) {
    %c0_i32 = arith.constant 0 : i32
    %c0_i32_0 = arith.constant 0 : i32
    %c0_i32_1 = arith.constant 0 : i32
    return %c0_i32, %c0_i32_0 : i32, i32
  }
  func.func @transform_4(%arg0: i32) -> (i32, i32) {
    %c0_i32 = arith.constant 0 : i32
    %c0_i32_0 = arith.constant 0 : i32
    %c0_i32_1 = arith.constant 0 : i32
    return %c0_i32, %c0_i32_0 : i32, i32
  }
  func.func @transform_5(%arg0: i32) -> (i32, i32) {
    %c0_i32 = arith.constant 0 : i32
    %c0_i32_0 = arith.constant 0 : i32
    return %arg0, %c0_i32 : i32, i32
  }
}

</mosaic_0001>

<sc_bundles>
// kernel: kernel.11.cloned.1.call-start
scs
__scs_entry_jumppad:
0x0: {  	(pc) =	sbr.rel $0x88, $3  }
0x1: {  	(tag) =	ssettag $0x0;
	lr =	simm.s32 $0x1  }
0x2: {  	[smem:$0x3F9B] =	sst lr;
	_ =	strace $0xD0000000  }
0x3: {  	_ = 	snop  }
0x4: {  	_ = 	snop  }
0x5: {  	_ = 	snop  }
0x6: {  	_ = 	snop  }
0x7: {  	_ = 	snop  }
__scs_overlays_trampoline_lowered:
0x8: {  	[smem:$0x3FAA] =	sst s0  }
0x9: {  	[smem:$0x3FAB] =	sst s1  }
0xa: {  	[smem:$0x3FAC] =	sst s2  }
0xb: {  	[smem:$0x3FAD] =	sst s3  }
0xc: {  	[smem:$0x3FAE] =	sst s4  }
0xd: {  	[smem:$0x3FAF] =	sst s5  }
0xe: {  	[smem:$0x3FB0] =	sst s6  }
0xf: {  	[smem:$0x3FB1] =	sst s7  }
0x10: {  	[smem:$0x3FB2] =	sst s8  }
0x11: {  	[smem:$0x3FB3] =	sst s9;
	s0 =	simm.s32 @!p0 $0x0  }
0x12: {  	s1 =	sld [smem:$0x3F99];
	s0 =	simm.s32 @p0 $0x1  }
0x13: {  	[smem:$0x3FB4] =	sst s0;
	s0 =	simm.s32 @!p1 $0x0  }
0x14: {  	s2 =	sld [smem:$0x3F98];
	s0 =	simm.s32 @p1 $0x1  }
0x15: {  	[smem:$0x3FB5] =	sst s0;
	s0 =	simm.s32 @!p2 $0x0  }
0x16: {  	s3 =	sld [smem:$0x3FDB];
	s0 =	simm.s32 @p2 $0x1  }
0x17: {  	s4 =	simm.s32 $0x1BF5;
	[smem:$0x3FB7] =	sst s0  }
0x18: {  	s0 =	sld [smem:$0x3F9A];
	_ =	swait.ge [sflag:s4], $0x0  }
0x19: {  	s7 =	sld [smem:$0x3F9B]  }
0x1a: {  	s8 =	sadd.s32 $0xFFFFE003, lr  }
0x1b: {  	s9 =	sadd.s32 $0xFFFFFEF7, lr;
	s5 =	simm.s32 $0xFFFFFFFF;
	p2 =	slt.u32 s8, $0xFFFFF086  }
0x1c: {  	p1 =	slt.u32 s9, $0xF7A;
	s5 =	simm.s32 @!p2 $0x0  }
0x1d: {  	s5 =	simm.s32 @p1 $0x1;
	p0 =	seq.s32 s7, s2  }
0x1e: {  	s7 =	smul.u32 @!p0 $0xF7A, s2;
	p2 =	seq.s32 @!p0 s5, $0x0  }
0x1f: {  	s9 =	smul.u32 $0xF7A, s1;
	s8 =	simm.s32 @!p0 $0x1BF5;
	p2 =	por !p2, p0  }
0x20: {  	[sflag:s8] =	ssyncset.s32 @!p0 $0xFFFFF086;
	s6 =	sadd.s32 @!p0 s3, s7;
	s7 =	simm.s32 @!p0 $0x108  }
0x21: {  	s3 =	sadd.s32 s3, s9;
	s6 =	sadd.s32 @!p0 $0x88, s6;
	s7 =	simm.s32 @p2 $0x1082  }
0x22: {  	[simem:s7], [sflag:s8] =	dma.local @!p0 [hbm:s6], $0xF7A  }
0x23: {  	s9 =	sor.u32 $0xD0000000, s2;
	s6 =	simm.s32 $0x108;
	_ =	swait.ge @!p0 [sflag:s8], $0x0  }
0x24: {  	s3 =	sadd.s32 $0x88, s3;
	s6 =	simm.s32 @!p1 $0x1082;
	[sflag:s4] =	ssyncset.s32 $0xFFFFF086  }
0x25: {  	[simem:s6], [sflag:s4] =	dma.local [hbm:s3], $0xF7A  }
0x26: {  	[smem:$0x3F9B] =	sst s1;
	(tag) =	ssettag s2;
	_ =	strace s9  }
0x27: {  	s1 =	sld [smem:$0x3FAB]  }
0x28: {  	s2 =	sld [smem:$0x3FAC]  }
0x29: {  	s4 =	sld [smem:$0x3FAE]  }
0x2a: {  	p0 =	seq.s32 s5, $0x0;
	s5 =	sld [smem:$0x3FAF]  }
0x2b: {  	s6 =	sld [smem:$0x3FB0]  }
0x2c: {  	s7 =	sld [smem:$0x3FB1]  }
0x2d: {  	s3 =	simm.s32 $0x108;
	s8 =	sld [smem:$0x3FB2]  }
0x2e: {  	s3 =	simm.s32 @!p0 $0x1082;
	s9 =	sld [smem:$0x3FB3]  }
0x2f: {  	lr =	sadd.s32 s0, s3;
	s0 =	sld [smem:$0x3FAA]  }
0x30: {  	s3 =	sld [smem:$0x3FAD]  }
0x31: {  	[smem:$0x3FB6] =	sst s10  }
0x32: {  	s10 =	sld [smem:$0x3FB4];
	_ =	sdelay $0x3  }
0x33: {  	p0 =	seq.s32 s10, $0x1;
	s10 =	sld [smem:$0x3FB6];
	_ =	sdelay $0x3  }
0x34: {  	[smem:$0x3FB6] =	sst s10  }
0x35: {  	s10 =	sld [smem:$0x3FB5];
	_ =	sdelay $0x3  }
0x36: {  	p1 =	seq.s32 s10, $0x1;
	s10 =	sld [smem:$0x3FB6];
	_ =	sdelay $0x3  }
0x37: {  	[smem:$0x3FB6] =	sst s10  }
0x38: {  	s10 =	sld [smem:$0x3FB7]  }
0x39: {  	_ = 	snop;
	(pc) =	sbr.ind lr, $3  }
0x3a: {  	_ = 	snop  }
0x3b: {  	_ = 	snop  }
0x3c: {  	p2 =	seq.s32 s10, $0x1;
	s10 =	sld [smem:$0x3FB6]  }
0x3d: {  	_ =	shalt  }
0x3e: {  	_ =	shalt  }
0x3f: {  	_ =	shalt  }
0x40: {  	_ =	shalt  }
0x41: {  	_ =	shalt  }
0x42: {  	_ =	shalt  }
0x43: {  	_ =	shalt  }
0x44: {  	_ =	shalt  }
0x45: {  	_ =	shalt  }
0x46: {  	_ =	shalt  }
0x47: {  	_ =	shalt  }
0x48: {  	_ =	shalt  }
0x49: {  	_ =	shalt  }
0x4a: {  	_ =	shalt  }
0x4b: {  	_ =	shalt  }
0x4c: {  	_ =	shalt  }
0x4d: {  	_ =	shalt  }
0x4e: {  	_ =	shalt  }
0x4f: {  	_ =	shalt  }
0x50: {  	_ =	shalt  }
0x51: {  	_ =	shalt  }
0x52: {  	_ =	shalt  }
0x53: {  	_ =	shalt  }
0x54: {  	_ =	shalt  }
0x55: {  	_ =	shalt  }
0x56: {  	_ =	shalt  }
0x57: {  	_ =	shalt  }
0x58: {  	_ =	shalt  }
0x59: {  	_ =	shalt  }
0x5a: {  	_ =	shalt  }
0x5b: {  	_ =	shalt  }
0x5c: {  	_ =	shalt  }
0x5d: {  	_ =	shalt  }
0x5e: {  	_ =	shalt  }
0x5f: {  	_ =	shalt  }
0x60: {  	_ =	shalt  }
0x61: {  	_ =	shalt  }
0x62: {  	_ =	shalt  }
0x63: {  	_ =	shalt  }
0x64: {  	_ =	shalt  }
0x65: {  	_ =	shalt  }
0x66: {  	_ =	shalt  }
0x67: {  	_ =	shalt  }
0x68: {  	_ =	shalt  }
0x69: {  	_ =	shalt  }
0x6a: {  	_ =	shalt  }
0x6b: {  	_ =	shalt  }
0x6c: {  	_ =	shalt  }
0x6d: {  	_ =	shalt  }
0x6e: {  	_ =	shalt  }
0x6f: {  	_ =	shalt  }
0x70: {  	_ =	shalt  }
0x71: {  	_ =	shalt  }
0x72: {  	_ =	shalt  }
0x73: {  	_ =	shalt  }
0x74: {  	_ =	shalt  }
0x75: {  	_ =	shalt  }
0x76: {  	_ =	shalt  }
0x77: {  	_ =	shalt  }
0x78: {  	_ =	shalt  }
0x79: {  	_ =	shalt  }
0x7a: {  	_ =	shalt  }
0x7b: {  	_ =	shalt  }
0x7c: {  	_ =	shalt  }
0x7d: {  	_ =	shalt  }
0x7e: {  	_ =	shalt  }
0x7f: {  	_ =	shalt  }
0x80: {  	_ =	shalt  }
0x81: {  	_ =	shalt  }
0x82: {  	_ =	shalt  }
0x83: {  	_ =	shalt  }
0x84: {  	_ =	shalt  }
0x85: {  	_ =	shalt  }
0x86: {  	_ =	shalt  }
0x87: {  	_ =	shalt  }
.Lfunc_end0:
.L_simem_size_0:
called_computation.1_lowered:
.L_overlay_start_0:
0x88: {  	s2 =	sld [smem:$0x3FD9]  }
0x89: {  	s3 =	sld [smem:$0x3FFE];
	_ =	sdelay $0x1  }
0x8a: {  	s1 =	srdreg.scid  }
0x8b: {  	s0 =	sand.u32 $0x1, s1  }
0x8c: {  	s17 =	sshll.u32 s0, $0xA;
	s2 =	sadd.s32 s3, s2  }
0x8d: {  	s2 =	sadd.s32 s2, s17  }
0x8e: {  	[smem:$0x3FC2] =	sst s2  }
0x8f: {  	_ = 	snop  }
0x90: {  	s2 =	sld [smem:$0x3FD0];
	(tm) =	ssettm $0x1  }
0x91: {  	s18 =	sld [smem:$0x3FFB];
	_ =	sdelay $0x3  }
0x92: {  	_ =	strace s18  }
0x93: {  	s3 =	sld [smem:$0x3FFC];
	_ =	sdelay $0x3  }
0x94: {  	_ =	strace s3  }
0x95: {  	s3 =	sld [smem:$0x3FFD];
	_ =	sdelay $0x3  }
0x96: {  	_ =	strace s3  }
0x97: {  	_ =	strace $0x8FFFFFFF  }
0x98: {  	s19 =	sld [smem:$0x3FDB];
	_ =	sdelay $0x1  }
0x99: {  	s4 =	simm.s32 $_scs_section_size  }
0x9a: {  	s5 =	simm.s32 $_size__tile_overlayer_lowered;
	s6 =	simm.s32 $_tile_overlayer_lowered  }
0x9b: {  	s22 =	simm.s32 $0x1BFF;
	s21 =	sshll.u32 s6, $0x1;
	s3 =	sadd.s32 s4, s19  }
0x9c: {  	s7 =	simm.s32 $0x0;
	s20 =	sshll.u32 s5, $0x1;
	s5 =	sadd.s32 s21, s3  }
0x9d: {  	[timem:s7], [sflag:s22] =	dma.local [hbm:s5], s20  }
0x9e: {  	_ =	swait.ge [sflag:s22], s20  }
0x9f: {  	s4 =	ssub.s32 $0x0, s20;
	[sflag:s22] =	ssyncset.done $0x0  }
0xa0: {  	[sflag:s22] =	ssyncadd.s32 s4;
	_ =	sdelay $0x1  }
0xa1: {  	s23 =	simm.s32 $0x1B8B  }
0xa2: {  	_ =	swait.ge [sflag:s23], $0x1  }
0xa3: {  	[sflag:s23] =	ssyncset.done $0x0  }
0xa4: {  	s25 =	simm.s32 $0x1B8E;
	s24 =	sld [smem:$0x3FFE];
	[sflag:s23] =	ssyncadd.s32 $0xFFFFFFFF  }
0xa5: {  	s26 =	simm.s32 $execute0_lowered;
	[smem:$0x3FD2] =	sst s25  }
0xa6: {  	s5 =	sshll.u32 s26, $0x1;
	_ =	strace $0x80000049;
	[dreg:$0x1] =	wrdreg $0xFFFFFFFF  }
0xa7: {  	s28 =	simm.s32 $_size_execute0_lowered;
	s3 =	sadd.s32 s3, s5;
	[dreg:$0x0] =	wrdreg $0x0  }
0xa8: {  	s5 =	sshll.u32 s28, $0x1;
	[dreg:$0x2] =	wrdreg s3  }
0xa9: {  	[dreg:$0x3] =	wrdreg s5  }
0xaa: {  	[dreg:$0x4] =	wrdreg $0xC0  }
0xab: {  	_ =	task [dreg:s7], $0x5FFFF  }
0xac: {  	[dreg:$0x1] =	wrdreg $0xFFFFFFFF  }
0xad: {  	[dreg:$0x0] =	wrdreg $0x60  }
0xae: {  	[dreg:$0x2] =	wrdreg s24  }
0xaf: {  	[dreg:$0x3] =	wrdreg s2  }
0xb0: {  	[dreg:$0x4] =	wrdreg $0xA8000  }
0xb1: {  	[dreg:$0x5] =	wrdreg $0x9  }
0xb2: {  	_ =	task.clear_ibuf [dreg:s7], $0x6FFFF;
	_ =	strace $0x90000049  }
0xb3: {  	s29 =	simm.s32 $0x9;
	_ =	strace $0x8000004B  }
0xb4: {  	_ =	swait.ge [sflag:s29], $0x1  }
0xb5: {  	[sflag:s29] =	ssyncadd.s32 $0xFFFFFFFF  }
0xb6: {  	_ =	strace $0x9000004B  }
0xb7: {  	_ =	sfence  }
0xb8: {  	s30 =	sld [smem:$0x0];
	_ =	sdelay $0x2  }
0xb9: {  	s31 =	sshll.u32 s1, $0xD;
	s1 =	sshrl.u32 s1, $0x2  }
0xba: {  	s3 =	sand.u32 $0x4000, s31;
	s1 =	sadd.s32 s1, s30  }
0xbb: {  	s0 =	sor.u32 s3, s0;
	s1 =	sshll.u32 s1, $0x11  }
0xbc: {  	s0 =	sor.u32 s1, s0  }
0xbd: {  	s0 =	sadd.s32 $0x8F2B, s0  }
0xbe: {  	[sflag:s0] =	ssyncadd.remote.s32 $0x1  }
0xbf: {  	_ =	sfence.sel $0xFFFF  }
0xc0: {  	[dreg:$0x0] =	wrdreg $0xFFFFFFFF;
	(pc) =	sbr.abs _section_cstart, $3  }
0xc1: {  	[dreg:$0x1] =	wrdreg $0xFFFFFFFF  }
0xc2: {  	_ =	task.clear_ibuf [dreg:s7], $0x2FFFF;
	_ =	strace $0x9FFFFFFF  }
0xc3: {  	(tm) =	ssettm $0x7FFFFFFF  }
tec
execute0_lowered:
.L_overlay_start_1:
0x0: {  	(tag) =	ssettag $0x1  }
0x1: {  	s5 =	rddreg [dreg:$0x0]  }
0x2: {  	s9 =	rddreg [dreg:$0x1]  }
0x3: {  	s2 =	rddreg [dreg:$0x2]  }
0x4: {  	s0 =	rddreg [dreg:$0x3];
	s3 =	simm.s32 $0x0  }
0x5: {  	s1 =	stileid.u32;
	s4 =	srdreg.scid;
	s16 =	simm.s32 $0x2800  }
0x6: {  	s17 =	simm.s32 $0x6800;
	s18 =	simm.s32 $0x1;
	s19 =	simm.s32 $0x2  }
0x7: {  	[smem:$0x7FF] =	sst s3;
	s20 =	smul.u32 $0x2800, s1;
	s6 =	sand.u32 $0x1, s4  }
0x8: {  	s4 =	sadd.s32 $0x85200, s5;
	s10 =	sadd.s32 $0x2A00, s5;
	s11 =	sshll.u32 s1, $0x1  }
0x9: {  	s12 =	smul.u32 $0x50000, s1;
	s30 =	sshll.u32 s1, $0x6;
	_ =	strace $0x8000004A  }
0xa: {  	s7 =	smul.u32 $0x28000, s6;
	s24 =	ssub.s32 $0x2, s6;
	s6 =	sor.u32 s6, s11  }
0xb: {  	s8 =	sadd.s32 s20, s5;
	s25 =	sshrl.u32 s24, $0x1;
	s28 =	smul.u32 $0x2800, s6  }
0xc: {  	s26 =	sshrl.u32 s12, $0x2;
	s29 =	smul.u32 $0x500, s6;
	s6 =	sor.u32 $0x1C03, s30  }
0xd: {  	s13 =	sadd.s32 s7, s5;
	s14 =	ssub.s32 s24, s25;
	s15 =	sadd.s32 s26, s2  }
0xe: {  	s5 =	sadd.s32 $0xD200, s8;
	s31 =	sshrl.u32 s28, $0x3;
	s7 =	sadd.s32 s9, s29  }
0xf: {  	s8 =	sadd.s32 s10, s29;
	s21 =	sadd.s32 $0xAD200, s13;
	s11 =	smax.u32 s14, $0x1  }
0x10: {  	s13 =	simm.s32 $0x3;
	s14 =	simm.s32 $0x1400;
	s12 =	sadd.s32 $0x280, s31  }
0x11: {  	s20 =	sadd.s32 s20, s21;
	s21 =	simm.s32 $0x0;
	s9 =	sadd.s32 s9, s12  }
0x12: {  	s10 =	sadd.s32 s10, s12;
	s12 =	sshrl.u32 s15, $0x3;
	s15 =	simm.s32 $0x80  }
.LBB2_1:
0x13: {  	[spmem:s12], [sflag:s6] =	dma.local [hbm:s5], $0x2800  }
0x14: {  	_ =	swait.ge [sflag:s13], $0x2800  }
0x15: {  	[sflag:s13] =	ssyncset.done $0x0  }
0x16: {  	[sflag:s13] =	ssyncadd.s32 $0xFFFFD800  }
0x17: {  	[bflag:$0x0] =	sbarrier.arrive $0xFFFF  }
0x18: {  	[tilespmem:s3], [sflag:$0x3] =	stream.linear.gather [hbm4b:s7+s3], $0x1400, $0x38;
	[tilespmem:$0x1E800] =	vst v63  }
0x19: {  	_ =	swait.ge [sflag:s13], $0x1400  }
0x1a: {  	[sflag:s13] =	ssyncset.done $0x0  }
0x1b: {  	[sflag:s13] =	ssyncadd.s32 $0xFFFFEC00  }
0x1c: {  	[tilespmem:s14], [sflag:$0x3] =	stream.linear.gather [hbm4b:s8+s3], $0x1400, $0x38;
	[tilespmem:$0x1E800] =	vst v63  }
0x1d: {  	_ =	swait.ge [sflag:s13], $0x1400  }
0x1e: {  	[sflag:s13] =	ssyncset.done $0x0  }
0x1f: {  	s22 =	simm.s32 $0x0;
	[sflag:s13] =	ssyncadd.s32 $0xFFFFEC00  }
0x20: {  	[tilespmem:s16], [sflag:$0x1] =	stream.indirect.gather [hbm4b:s4+s15], $0x80, s22, s15, $0xb8;
	[tilespmem:$0x1E800] =	vst v63  }
0x21: {  	s29 =	simm.s32 $0x80  }
0x22: {  	[tilespmem:s17], [sflag:$0x1] =	stream.indirect.gather [hbm4b:s4+s15], $0x80, s29, s15, $0xb8;
	[tilespmem:$0x1E800] =	vst v63  }
0x23: {  	_ =	swait.ge [sflag:s18], $0x4000  }
0x24: {  	[sflag:s18] =	ssyncset.done $0x0  }
0x25: {  	[sflag:s18] =	ssyncadd.s32 $0xFFFFC000  }
0x26: {  	_ =	swait.ge [sflag:s18], $0x4000  }
0x27: {  	[sflag:s18] =	ssyncset.done $0x0  }
0x28: {  	s30 =	simm.s32 $0x1400;
	[sflag:s18] =	ssyncadd.s32 $0xFFFFC000  }
0x29: {  	[spmem:s2] =	stream.indirect.scatter.add.f32 [tilespmem:s16], [sflag:$0x2], $0x80, s30, s15, $0xb8;
	[tilespmem:$0x1E800] =	vst v63  }
0x2a: {  	s31 =	simm.s32 $0x1480  }
0x2b: {  	[spmem:s2] =	stream.indirect.scatter.add.f32 [tilespmem:s17], [sflag:$0x2], $0x80, s31, s15, $0xb8;
	[tilespmem:$0x1E800] =	vst v63  }
0x2c: {  	_ =	swait.ge [sflag:s19], $0x4000  }
0x2d: {  	[sflag:s19] =	ssyncset.done $0x0  }
0x2e: {  	[sflag:s19] =	ssyncadd.s32 $0xFFFFC000  }
0x2f: {  	_ =	swait.ge [sflag:s19], $0x4000  }
0x30: {  	s23 =	simm.s32 $0x800;
	s22 =	simm.s32 $0x400;
	[sflag:s19] =	ssyncset.done $0x0  }
.LBB2_2:
0x31: {  	s24 =	sshra.s32 s22, $0x2  }
0x32: {  	[sflag:s19] =	ssyncadd.s32 $0xFFFFC000;
	s22 =	smov.u32 s23;
	s25 =	sadd.s32 $0x400, s23  }
0x33: {  	[tilespmem:s16], [sflag:$0x1] =	stream.indirect.gather [hbm4b:s4+s15], $0x80, s24, s15, $0xb8;
	[tilespmem:$0x1E800] =	vst v63  }
0x34: {  	p0 =	sne.s32 s23, $0x4C00;
	s23 =	sadd.s32 $0x80, s24  }
0x35: {  	[tilespmem:s17], [sflag:$0x1] =	stream.indirect.gather [hbm4b:s4+s15], $0x80, s23, s15, $0xb8;
	[tilespmem:$0x1E800] =	vst v63  }
0x36: {  	_ =	swait.ge [sflag:s18], $0x4000  }
0x37: {  	[sflag:s18] =	ssyncset.done $0x0  }
0x38: {  	[sflag:s18] =	ssyncadd.s32 $0xFFFFC000  }
0x39: {  	_ =	swait.ge [sflag:s18], $0x4000  }
0x3a: {  	[sflag:s18] =	ssyncset.done $0x0  }
0x3b: {  	s23 =	sadd.s32 $0x1400, s24;
	[sflag:s18] =	ssyncadd.s32 $0xFFFFC000  }
0x3c: {  	[spmem:s2] =	stream.indirect.scatter.add.f32 [tilespmem:s16], [sflag:$0x2], $0x80, s23, s15, $0xb8;
	[tilespmem:$0x1E800] =	vst v63  }
0x3d: {  	s23 =	sadd.s32 $0x1480, s24  }
0x3e: {  	[spmem:s2] =	stream.indirect.scatter.add.f32 [tilespmem:s17], [sflag:$0x2], $0x80, s23, s15, $0xb8;
	[tilespmem:$0x1E800] =	vst v63  }
.Ltmp0:
0x3f: {  	_ =	swait.ge [sflag:s19], $0x4000;
	(pc) =	sbr.rel @p0 .LBB2_2-.Ltmp0, $4  }
0x40: {  	[sflag:s19] =	ssyncset.done $0x0  }
0x41: {  	[sflag:s19] =	ssyncadd.s32 $0xFFFFC000  }
0x42: {  	_ =	swait.ge [sflag:s19], $0x4000  }
0x43: {  	s23 =	smov.u32 s25;
	[sflag:s19] =	ssyncset.done $0x0  }
0x44: {  	s22 =	sshra.s32 s22, $0x2;
	[sflag:s19] =	ssyncadd.s32 $0xFFFFC000  }
0x45: {  	[tilespmem:s16], [sflag:$0x1] =	stream.indirect.gather [hbm4b:s4+s15], $0x80, s22, s15, $0xb8;
	[tilespmem:$0x1E800] =	vst v63  }
0x46: {  	s23 =	sadd.s32 $0x80, s22  }
0x47: {  	[tilespmem:s17], [sflag:$0x1] =	stream.indirect.gather [hbm4b:s4+s15], $0x80, s23, s15, $0xb8;
	[tilespmem:$0x1E800] =	vst v63  }
0x48: {  	_ =	swait.ge [sflag:s18], $0x4000  }
0x49: {  	[sflag:s18] =	ssyncset.done $0x0  }
0x4a: {  	[sflag:s18] =	ssyncadd.s32 $0xFFFFC000  }
0x4b: {  	_ =	swait.ge [sflag:s18], $0x4000  }
0x4c: {  	[sflag:s18] =	ssyncset.done $0x0  }
0x4d: {  	s25 =	sadd.s32 $0x1400, s22;
	[sflag:s18] =	ssyncadd.s32 $0xFFFFC000  }
0x4e: {  	[spmem:s2] =	stream.indirect.scatter.add.f32 [tilespmem:s16], [sflag:$0x2], $0x80, s25, s15, $0xb8;
	[tilespmem:$0x1E800] =	vst v63  }
0x4f: {  	s22 =	sadd.s32 $0x1480, s22  }
0x50: {  	[spmem:s2] =	stream.indirect.scatter.add.f32 [tilespmem:s17], [sflag:$0x2], $0x80, s22, s15, $0xb8;
	[tilespmem:$0x1E800] =	vst v63  }
0x51: {  	_ =	swait.ge [sflag:s19], $0x4000  }
0x52: {  	[sflag:s19] =	ssyncset.done $0x0  }
0x53: {  	[sflag:s19] =	ssyncadd.s32 $0xFFFFC000  }
0x54: {  	_ =	swait.ge [sflag:s19], $0x4000  }
0x55: {  	[sflag:s19] =	ssyncset.done $0x0  }
0x56: {  	s26 =	simm.s32 $0x0;
	[sflag:s19] =	ssyncadd.s32 $0xFFFFC000  }
0x57: {  	[tilespmem:s26], [sflag:$0x3] =	stream.linear.gather [hbm4b:s9+s26], $0x1400, $0x38;
	[tilespmem:$0x1E800] =	vst v63  }
0x58: {  	_ =	swait.ge [sflag:s13], $0x1400  }
0x59: {  	[sflag:s13] =	ssyncset.done $0x0  }
0x5a: {  	[sflag:s13] =	ssyncadd.s32 $0xFFFFEC00  }
0x5b: {  	[tilespmem:s14], [sflag:$0x3] =	stream.linear.gather [hbm4b:s10+s26], $0x1400, $0x38;
	[tilespmem:$0x1E800] =	vst v63  }
0x5c: {  	_ =	swait.ge [sflag:s13], $0x1400  }
0x5d: {  	[sflag:s13] =	ssyncset.done $0x0  }
0x5e: {  	s28 =	simm.s32 $0x0;
	[sflag:s13] =	ssyncadd.s32 $0xFFFFEC00  }
0x5f: {  	[tilespmem:s16], [sflag:$0x1] =	stream.indirect.gather [hbm4b:s4+s15], $0x80, s28, s15, $0xb8;
	[tilespmem:$0x1E800] =	vst v63  }
0x60: {  	s29 =	simm.s32 $0x80  }
0x61: {  	[tilespmem:s17], [sflag:$0x1] =	stream.indirect.gather [hbm4b:s4+s15], $0x80, s29, s15, $0xb8;
	[tilespmem:$0x1E800] =	vst v63  }
0x62: {  	_ =	swait.ge [sflag:s18], $0x4000  }
0x63: {  	[sflag:s18] =	ssyncset.done $0x0  }
0x64: {  	[sflag:s18] =	ssyncadd.s32 $0xFFFFC000  }
0x65: {  	_ =	swait.ge [sflag:s18], $0x4000  }
0x66: {  	[sflag:s18] =	ssyncset.done $0x0  }
0x67: {  	s30 =	simm.s32 $0x1400;
	[sflag:s18] =	ssyncadd.s32 $0xFFFFC000  }
0x68: {  	[spmem:s2] =	stream.indirect.scatter.add.f32 [tilespmem:s16], [sflag:$0x2], $0x80, s30, s15, $0xb8;
	[tilespmem:$0x1E800] =	vst v63  }
0x69: {  	s31 =	simm.s32 $0x1480  }
0x6a: {  	[spmem:s2] =	stream.indirect.scatter.add.f32 [tilespmem:s17], [sflag:$0x2], $0x80, s31, s15, $0xb8;
	[tilespmem:$0x1E800] =	vst v63  }
0x6b: {  	_ =	swait.ge [sflag:s19], $0x4000  }
0x6c: {  	[sflag:s19] =	ssyncset.done $0x0  }
0x6d: {  	[sflag:s19] =	ssyncadd.s32 $0xFFFFC000  }
0x6e: {  	_ =	swait.ge [sflag:s19], $0x4000  }
0x6f: {  	s23 =	simm.s32 $0x800;
	s22 =	simm.s32 $0x400;
	[sflag:s19] =	ssyncset.done $0x0  }
.LBB2_4:
0x70: {  	s24 =	sshra.s32 s22, $0x2  }
0x71: {  	[sflag:s19] =	ssyncadd.s32 $0xFFFFC000;
	s22 =	smov.u32 s23;
	s25 =	sadd.s32 $0x400, s23  }
0x72: {  	[tilespmem:s16], [sflag:$0x1] =	stream.indirect.gather [hbm4b:s4+s15], $0x80, s24, s15, $0xb8;
	[tilespmem:$0x1E800] =	vst v63  }
0x73: {  	p0 =	sne.s32 s23, $0x4C00;
	s23 =	sadd.s32 $0x80, s24  }
0x74: {  	[tilespmem:s17], [sflag:$0x1] =	stream.indirect.gather [hbm4b:s4+s15], $0x80, s23, s15, $0xb8;
	[tilespmem:$0x1E800] =	vst v63  }
0x75: {  	_ =	swait.ge [sflag:s18], $0x4000  }
0x76: {  	[sflag:s18] =	ssyncset.done $0x0  }
0x77: {  	[sflag:s18] =	ssyncadd.s32 $0xFFFFC000  }
0x78: {  	_ =	swait.ge [sflag:s18], $0x4000  }
0x79: {  	[sflag:s18] =	ssyncset.done $0x0  }
0x7a: {  	s23 =	sadd.s32 $0x1400, s24;
	[sflag:s18] =	ssyncadd.s32 $0xFFFFC000  }
0x7b: {  	[spmem:s2] =	stream.indirect.scatter.add.f32 [tilespmem:s16], [sflag:$0x2], $0x80, s23, s15, $0xb8;
	[tilespmem:$0x1E800] =	vst v63  }
0x7c: {  	s23 =	sadd.s32 $0x1480, s24  }
0x7d: {  	[spmem:s2] =	stream.indirect.scatter.add.f32 [tilespmem:s17], [sflag:$0x2], $0x80, s23, s15, $0xb8;
	[tilespmem:$0x1E800] =	vst v63  }
.Ltmp1:
0x7e: {  	_ =	swait.ge [sflag:s19], $0x4000;
	(pc) =	sbr.rel @p0 .LBB2_4-.Ltmp1, $4  }
0x7f: {  	[sflag:s19] =	ssyncset.done $0x0  }
0x80: {  	[sflag:s19] =	ssyncadd.s32 $0xFFFFC000  }
0x81: {  	_ =	swait.ge [sflag:s19], $0x4000  }
0x82: {  	s23 =	smov.u32 s25;
	[sflag:s19] =	ssyncset.done $0x0  }
0x83: {  	s22 =	sshra.s32 s22, $0x2;
	[sflag:s19] =	ssyncadd.s32 $0xFFFFC000  }
0x84: {  	[tilespmem:s16], [sflag:$0x1] =	stream.indirect.gather [hbm4b:s4+s15], $0x80, s22, s15, $0xb8;
	[tilespmem:$0x1E800] =	vst v63  }
0x85: {  	s23 =	sadd.s32 $0x80, s22  }
0x86: {  	[tilespmem:s17], [sflag:$0x1] =	stream.indirect.gather [hbm4b:s4+s15], $0x80, s23, s15, $0xb8;
	[tilespmem:$0x1E800] =	vst v63  }
0x87: {  	_ =	swait.ge [sflag:s18], $0x4000  }
0x88: {  	[sflag:s18] =	ssyncset.done $0x0  }
0x89: {  	[sflag:s18] =	ssyncadd.s32 $0xFFFFC000  }
0x8a: {  	_ =	swait.ge [sflag:s18], $0x4000  }
0x8b: {  	[sflag:s18] =	ssyncset.done $0x0  }
0x8c: {  	s31 =	sadd.s32 $0x1400, s22;
	[sflag:s18] =	ssyncadd.s32 $0xFFFFC000  }
0x8d: {  	[spmem:s2] =	stream.indirect.scatter.add.f32 [tilespmem:s16], [sflag:$0x2], $0x80, s31, s15, $0xb8;
	[tilespmem:$0x1E800] =	vst v63  }
0x8e: {  	s22 =	sadd.s32 $0x1480, s22  }
0x8f: {  	[spmem:s2] =	stream.indirect.scatter.add.f32 [tilespmem:s17], [sflag:$0x2], $0x80, s22, s15, $0xb8;
	[tilespmem:$0x1E800] =	vst v63  }
0x90: {  	_ =	swait.ge [sflag:s19], $0x4000  }
0x91: {  	[sflag:s19] =	ssyncset.done $0x0  }
0x92: {  	[sflag:s19] =	ssyncadd.s32 $0xFFFFC000  }
0x93: {  	_ =	swait.ge [sflag:s19], $0x4000  }
0x94: {  	s21 =	sadd.s32 $0x1, s21;
	[sflag:s19] =	ssyncset.done $0x0  }
0x95: {  	p0 =	sne.s32 s21, s11;
	[sflag:s19] =	ssyncadd.s32 $0xFFFFC000  }
.Ltmp2:
0x96: {  	[bflag:$0x0] =	sbarrier.arrive $0xFFFF;
	(pc) =	sbr.rel @p0 .LBB2_1-.Ltmp2, $4  }
0x97: {  	[hbm:s20], [sflag:s6] =	dma.local [spmem:s12], $0x2800  }
0x98: {  	_ =	swait.ge [sflag:s13], $0x2800  }
0x99: {  	[sflag:s13] =	ssyncset.done $0x0  }
0x9a: {  	[sflag:s13] =	ssyncadd.s32 $0xFFFFD800  }
0x9b: {  	_ =	sfence.sel $0x180000  }
0x9c: {  	[bflag:$0x0] =	sbarrier.arrive $0xFFFF  }
0x9d: {  	p0 =	sne.s32 s1, $0x0;
	_ =	strace $0x9000004A  }
0x9e: {  	s0 =	sadd.s32 @!p0 $0x100000, s0;
	[bflag:$0x2] =	sbarrier.arrive $0xFFFF  }
0x9f: {  	[sflag:s0] =	ssyncadd.tile.s32 @!p0 $0x1;
	_ =	shalt  }
.Lfunc_end2:
_tile_overlayer_lowered:
.L_overlay_start_2:
0xa0: {  	(tag) =	ssettag $0x2  }
0xa1: {  	s0 =	rddreg [dreg:$0x0];
	s2 =	stileid.u32  }
0xa2: {  	s1 =	rddreg [dreg:$0x1];
	p0 =	sne.s32 s2, $0x0  }
0xa3: {  	s3 =	rddreg [dreg:$0x2];
	[bflag:$0x3] =	sbarrier.arrive $0xFFFF;
	s2 =	simm.s32 @!p0 $0x1C03  }
0xa4: {  	[timem:s3], [sflag:s2] =	dma.local @!p0 [hbm:s0], s1  }
0xa5: {  	s0 =	simm.s32 @!p0 $0x3  }
0xa6: {  	_ =	swait.ge @!p0 [sflag:s0], s1  }
0xa7: {  	s1 =	ssub.s32 @!p0 $0x0, s1;
	[sflag:s0] =	ssyncset.done @!p0 $0x0  }
0xa8: {  	[sflag:s0] =	ssyncadd.s32 @!p0 s1  }
0xa9: {  	[bflag:$0x3] =	sbarrier.arrive $0xFFFF  }
0xaa: {  	_ =	shalt  }

// kernel: kernel.14.cloned.1.call-start
scs
__scs_entry_jumppad:
0x0: {  	(pc) =	sbr.rel $0x88, $3  }
0x1: {  	(tag) =	ssettag $0x0;
	lr =	simm.s32 $0x1  }
0x2: {  	[smem:$0x3F9B] =	sst lr;
	_ =	strace $0xD0000000  }
0x3: {  	_ = 	snop  }
0x4: {  	_ = 	snop  }
0x5: {  	_ = 	snop  }
0x6: {  	_ = 	snop  }
0x7: {  	_ = 	snop  }
__scs_overlays_trampoline_lowered:
0x8: {  	[smem:$0x3FAA] =	sst s0  }
0x9: {  	[smem:$0x3FAB] =	sst s1  }
0xa: {  	[smem:$0x3FAC] =	sst s2  }
0xb: {  	[smem:$0x3FAD] =	sst s3  }
0xc: {  	[smem:$0x3FAE] =	sst s4  }
0xd: {  	[smem:$0x3FAF] =	sst s5  }
0xe: {  	[smem:$0x3FB0] =	sst s6  }
0xf: {  	[smem:$0x3FB1] =	sst s7  }
0x10: {  	[smem:$0x3FB2] =	sst s8  }
0x11: {  	[smem:$0x3FB3] =	sst s9;
	s0 =	simm.s32 @!p0 $0x0  }
0x12: {  	s1 =	sld [smem:$0x3F99];
	s0 =	simm.s32 @p0 $0x1  }
0x13: {  	[smem:$0x3FB4] =	sst s0;
	s0 =	simm.s32 @!p1 $0x0  }
0x14: {  	s2 =	sld [smem:$0x3F98];
	s0 =	simm.s32 @p1 $0x1  }
0x15: {  	[smem:$0x3FB5] =	sst s0;
	s0 =	simm.s32 @!p2 $0x0  }
0x16: {  	s3 =	sld [smem:$0x3FDB];
	s0 =	simm.s32 @p2 $0x1  }
0x17: {  	s4 =	simm.s32 $0x1BF5;
	[smem:$0x3FB7] =	sst s0  }
0x18: {  	s0 =	sld [smem:$0x3F9A];
	_ =	swait.ge [sflag:s4], $0x0  }
0x19: {  	s7 =	sld [smem:$0x3F9B]  }
0x1a: {  	s8 =	sadd.s32 $0xFFFFE003, lr  }
0x1b: {  	s9 =	sadd.s32 $0xFFFFFEF7, lr;
	s5 =	simm.s32 $0xFFFFFFFF;
	p2 =	slt.u32 s8, $0xFFFFF086  }
0x1c: {  	p1 =	slt.u32 s9, $0xF7A;
	s5 =	simm.s32 @!p2 $0x0  }
0x1d: {  	s5 =	simm.s32 @p1 $0x1;
	p0 =	seq.s32 s7, s2  }
0x1e: {  	s7 =	smul.u32 @!p0 $0xF7A, s2;
	p2 =	seq.s32 @!p0 s5, $0x0  }
0x1f: {  	s9 =	smul.u32 $0xF7A, s1;
	s8 =	simm.s32 @!p0 $0x1BF5;
	p2 =	por !p2, p0  }
0x20: {  	[sflag:s8] =	ssyncset.s32 @!p0 $0xFFFFF086;
	s6 =	sadd.s32 @!p0 s3, s7;
	s7 =	simm.s32 @!p0 $0x108  }
0x21: {  	s3 =	sadd.s32 s3, s9;
	s6 =	sadd.s32 @!p0 $0x88, s6;
	s7 =	simm.s32 @p2 $0x1082  }
0x22: {  	[simem:s7], [sflag:s8] =	dma.local @!p0 [hbm:s6], $0xF7A  }
0x23: {  	s9 =	sor.u32 $0xD0000000, s2;
	s6 =	simm.s32 $0x108;
	_ =	swait.ge @!p0 [sflag:s8], $0x0  }
0x24: {  	s3 =	sadd.s32 $0x88, s3;
	s6 =	simm.s32 @!p1 $0x1082;
	[sflag:s4] =	ssyncset.s32 $0xFFFFF086  }
0x25: {  	[simem:s6], [sflag:s4] =	dma.local [hbm:s3], $0xF7A  }
0x26: {  	[smem:$0x3F9B] =	sst s1;
	(tag) =	ssettag s2;
	_ =	strace s9  }
0x27: {  	s1 =	sld [smem:$0x3FAB]  }
0x28: {  	s2 =	sld [smem:$0x3FAC]  }
0x29: {  	s4 =	sld [smem:$0x3FAE]  }
0x2a: {  	p0 =	seq.s32 s5, $0x0;
	s5 =	sld [smem:$0x3FAF]  }
0x2b: {  	s6 =	sld [smem:$0x3FB0]  }
0x2c: {  	s7 =	sld [smem:$0x3FB1]  }
0x2d: {  	s3 =	simm.s32 $0x108;
	s8 =	sld [smem:$0x3FB2]  }
0x2e: {  	s3 =	simm.s32 @!p0 $0x1082;
	s9 =	sld [smem:$0x3FB3]  }
0x2f: {  	lr =	sadd.s32 s0, s3;
	s0 =	sld [smem:$0x3FAA]  }
0x30: {  	s3 =	sld [smem:$0x3FAD]  }
0x31: {  	[smem:$0x3FB6] =	sst s10  }
0x32: {  	s10 =	sld [smem:$0x3FB4];
	_ =	sdelay $0x3  }
0x33: {  	p0 =	seq.s32 s10, $0x1;
	s10 =	sld [smem:$0x3FB6];
	_ =	sdelay $0x3  }
0x34: {  	[smem:$0x3FB6] =	sst s10  }
0x35: {  	s10 =	sld [smem:$0x3FB5];
	_ =	sdelay $0x3  }
0x36: {  	p1 =	seq.s32 s10, $0x1;
	s10 =	sld [smem:$0x3FB6];
	_ =	sdelay $0x3  }
0x37: {  	[smem:$0x3FB6] =	sst s10  }
0x38: {  	s10 =	sld [smem:$0x3FB7]  }
0x39: {  	_ = 	snop;
	(pc) =	sbr.ind lr, $3  }
0x3a: {  	_ = 	snop  }
0x3b: {  	_ = 	snop  }
0x3c: {  	p2 =	seq.s32 s10, $0x1;
	s10 =	sld [smem:$0x3FB6]  }
0x3d: {  	_ =	shalt  }
0x3e: {  	_ =	shalt  }
0x3f: {  	_ =	shalt  }
0x40: {  	_ =	shalt  }
0x41: {  	_ =	shalt  }
0x42: {  	_ =	shalt  }
0x43: {  	_ =	shalt  }
0x44: {  	_ =	shalt  }
0x45: {  	_ =	shalt  }
0x46: {  	_ =	shalt  }
0x47: {  	_ =	shalt  }
0x48: {  	_ =	shalt  }
0x49: {  	_ =	shalt  }
0x4a: {  	_ =	shalt  }
0x4b: {  	_ =	shalt  }
0x4c: {  	_ =	shalt  }
0x4d: {  	_ =	shalt  }
0x4e: {  	_ =	shalt  }
0x4f: {  	_ =	shalt  }
0x50: {  	_ =	shalt  }
0x51: {  	_ =	shalt  }
0x52: {  	_ =	shalt  }
0x53: {  	_ =	shalt  }
0x54: {  	_ =	shalt  }
0x55: {  	_ =	shalt  }
0x56: {  	_ =	shalt  }
0x57: {  	_ =	shalt  }
0x58: {  	_ =	shalt  }
0x59: {  	_ =	shalt  }
0x5a: {  	_ =	shalt  }
0x5b: {  	_ =	shalt  }
0x5c: {  	_ =	shalt  }
0x5d: {  	_ =	shalt  }
0x5e: {  	_ =	shalt  }
0x5f: {  	_ =	shalt  }
0x60: {  	_ =	shalt  }
0x61: {  	_ =	shalt  }
0x62: {  	_ =	shalt  }
0x63: {  	_ =	shalt  }
0x64: {  	_ =	shalt  }
0x65: {  	_ =	shalt  }
0x66: {  	_ =	shalt  }
0x67: {  	_ =	shalt  }
0x68: {  	_ =	shalt  }
0x69: {  	_ =	shalt  }
0x6a: {  	_ =	shalt  }
0x6b: {  	_ =	shalt  }
0x6c: {  	_ =	shalt  }
0x6d: {  	_ =	shalt  }
0x6e: {  	_ =	shalt  }
0x6f: {  	_ =	shalt  }
0x70: {  	_ =	shalt  }
0x71: {  	_ =	shalt  }
0x72: {  	_ =	shalt  }
0x73: {  	_ =	shalt  }
0x74: {  	_ =	shalt  }
0x75: {  	_ =	shalt  }
0x76: {  	_ =	shalt  }
0x77: {  	_ =	shalt  }
0x78: {  	_ =	shalt  }
0x79: {  	_ =	shalt  }
0x7a: {  	_ =	shalt  }
0x7b: {  	_ =	shalt  }
0x7c: {  	_ =	shalt  }
0x7d: {  	_ =	shalt  }
0x7e: {  	_ =	shalt  }
0x7f: {  	_ =	shalt  }
0x80: {  	_ =	shalt  }
0x81: {  	_ =	shalt  }
0x82: {  	_ =	shalt  }
0x83: {  	_ =	shalt  }
0x84: {  	_ =	shalt  }
0x85: {  	_ =	shalt  }
0x86: {  	_ =	shalt  }
0x87: {  	_ =	shalt  }
.Lfunc_end0:
.L_simem_size_0:
called_computation.2_lowered:
.L_overlay_start_0:
0x88: {  	s2 =	sld [smem:$0x3FD9]  }
0x89: {  	s3 =	sld [smem:$0x3FFE];
	_ =	sdelay $0x1  }
0x8a: {  	s1 =	srdreg.scid  }
0x8b: {  	s0 =	sand.u32 $0x1, s1  }
0x8c: {  	s17 =	sshll.u32 s0, $0xA;
	s2 =	sadd.s32 s3, s2  }
0x8d: {  	s2 =	sadd.s32 s2, s17  }
0x8e: {  	[smem:$0x3FC2] =	sst s2  }
0x8f: {  	_ = 	snop  }
0x90: {  	s2 =	sld [smem:$0x3FD0];
	(tm) =	ssettm $0x1  }
0x91: {  	s18 =	sld [smem:$0x3FFB];
	_ =	sdelay $0x3  }
0x92: {  	_ =	strace s18  }
0x93: {  	s3 =	sld [smem:$0x3FFC];
	_ =	sdelay $0x3  }
0x94: {  	_ =	strace s3  }
0x95: {  	s3 =	sld [smem:$0x3FFD];
	_ =	sdelay $0x3  }
0x96: {  	_ =	strace s3  }
0x97: {  	_ =	strace $0x8FFFFFFF  }
0x98: {  	s19 =	sld [smem:$0x3FDB];
	_ =	sdelay $0x1  }
0x99: {  	s4 =	simm.s32 $_scs_section_size  }
0x9a: {  	s5 =	simm.s32 $_size__tile_overlayer_lowered;
	s6 =	simm.s32 $_tile_overlayer_lowered  }
0x9b: {  	s22 =	simm.s32 $0x1BFF;
	s21 =	sshll.u32 s6, $0x1;
	s3 =	sadd.s32 s4, s19  }
0x9c: {  	s7 =	simm.s32 $0x0;
	s20 =	sshll.u32 s5, $0x1;
	s5 =	sadd.s32 s21, s3  }
0x9d: {  	[timem:s7], [sflag:s22] =	dma.local [hbm:s5], s20  }
0x9e: {  	_ =	swait.ge [sflag:s22], s20  }
0x9f: {  	s4 =	ssub.s32 $0x0, s20;
	[sflag:s22] =	ssyncset.done $0x0  }
0xa0: {  	[sflag:s22] =	ssyncadd.s32 s4;
	_ =	sdelay $0x1  }
0xa1: {  	s23 =	simm.s32 $0x1B8B  }
0xa2: {  	_ =	swait.ge [sflag:s23], $0x1  }
0xa3: {  	[sflag:s23] =	ssyncset.done $0x0  }
0xa4: {  	s25 =	simm.s32 $0x1B8E;
	s24 =	sld [smem:$0x3FFE];
	[sflag:s23] =	ssyncadd.s32 $0xFFFFFFFF  }
0xa5: {  	s26 =	simm.s32 $execute0_lowered;
	[smem:$0x3FD2] =	sst s25  }
0xa6: {  	s5 =	sshll.u32 s26, $0x1;
	_ =	strace $0x8000004C;
	[dreg:$0x1] =	wrdreg $0xFFFFFFFF  }
0xa7: {  	s28 =	simm.s32 $_size_execute0_lowered;
	s3 =	sadd.s32 s3, s5;
	[dreg:$0x0] =	wrdreg $0x0  }
0xa8: {  	s5 =	sshll.u32 s28, $0x1;
	[dreg:$0x2] =	wrdreg s3  }
0xa9: {  	[dreg:$0x3] =	wrdreg s5  }
0xaa: {  	[dreg:$0x4] =	wrdreg $0xC0  }
0xab: {  	_ =	task [dreg:s7], $0x5FFFF  }
0xac: {  	[dreg:$0x1] =	wrdreg $0xFFFFFFFF  }
0xad: {  	[dreg:$0x0] =	wrdreg $0x60  }
0xae: {  	[dreg:$0x2] =	wrdreg s24  }
0xaf: {  	[dreg:$0x3] =	wrdreg s2  }
0xb0: {  	[dreg:$0x4] =	wrdreg $0xA8000  }
0xb1: {  	[dreg:$0x5] =	wrdreg $0x9  }
0xb2: {  	_ =	task.clear_ibuf [dreg:s7], $0x6FFFF;
	_ =	strace $0x9000004C  }
0xb3: {  	s29 =	simm.s32 $0x9;
	_ =	strace $0x8000004E  }
0xb4: {  	_ =	swait.ge [sflag:s29], $0x1  }
0xb5: {  	[sflag:s29] =	ssyncadd.s32 $0xFFFFFFFF  }
0xb6: {  	_ =	strace $0x9000004E  }
0xb7: {  	_ =	sfence  }
0xb8: {  	s30 =	sld [smem:$0x0];
	_ =	sdelay $0x2  }
0xb9: {  	s31 =	sshll.u32 s1, $0xD;
	s1 =	sshrl.u32 s1, $0x2  }
0xba: {  	s3 =	sand.u32 $0x4000, s31;
	s1 =	sadd.s32 s1, s30  }
0xbb: {  	s0 =	sor.u32 s3, s0;
	s1 =	sshll.u32 s1, $0x11  }
0xbc: {  	s0 =	sor.u32 s1, s0  }
0xbd: {  	s0 =	sadd.s32 $0x8F2B, s0  }
0xbe: {  	[sflag:s0] =	ssyncadd.remote.s32 $0x1  }
0xbf: {  	_ =	sfence.sel $0xFFFF  }
0xc0: {  	[dreg:$0x0] =	wrdreg $0xFFFFFFFF;
	(pc) =	sbr.abs _section_cstart, $3  }
0xc1: {  	[dreg:$0x1] =	wrdreg $0xFFFFFFFF  }
0xc2: {  	_ =	task.clear_ibuf [dreg:s7], $0x2FFFF;
	_ =	strace $0x9FFFFFFF  }
0xc3: {  	(tm) =	ssettm $0x7FFFFFFF  }
tec
execute0_lowered:
.L_overlay_start_1:
0x0: {  	(tag) =	ssettag $0x1  }
0x1: {  	s5 =	rddreg [dreg:$0x0]  }
0x2: {  	s9 =	rddreg [dreg:$0x1]  }
0x3: {  	s2 =	rddreg [dreg:$0x2]  }
0x4: {  	s0 =	rddreg [dreg:$0x3];
	s3 =	simm.s32 $0x0  }
0x5: {  	s1 =	stileid.u32;
	s4 =	srdreg.scid;
	s16 =	simm.s32 $0x2800  }
0x6: {  	s17 =	simm.s32 $0x6800;
	s18 =	simm.s32 $0x1;
	s19 =	simm.s32 $0x2  }
0x7: {  	[smem:$0x7FF] =	sst s3;
	s20 =	smul.u32 $0x2800, s1;
	s6 =	sand.u32 $0x1, s4  }
0x8: {  	s4 =	sadd.s32 $0x85200, s5;
	s10 =	sadd.s32 $0x2A00, s5;
	s11 =	sshll.u32 s1, $0x1  }
0x9: {  	s12 =	smul.u32 $0x50000, s1;
	s30 =	sshll.u32 s1, $0x6;
	_ =	strace $0x8000004D  }
0xa: {  	s7 =	smul.u32 $0x28000, s6;
	s24 =	ssub.s32 $0x2, s6;
	s6 =	sor.u32 s6, s11  }
0xb: {  	s8 =	sadd.s32 s20, s5;
	s25 =	sshrl.u32 s24, $0x1;
	s28 =	smul.u32 $0x2800, s6  }
0xc: {  	s26 =	sshrl.u32 s12, $0x2;
	s29 =	smul.u32 $0x500, s6;
	s6 =	sor.u32 $0x1C03, s30  }
0xd: {  	s13 =	sadd.s32 s7, s5;
	s14 =	ssub.s32 s24, s25;
	s15 =	sadd.s32 s26, s2  }
0xe: {  	s5 =	sadd.s32 $0xD200, s8;
	s31 =	sshrl.u32 s28, $0x3;
	s7 =	sadd.s32 s9, s29  }
0xf: {  	s8 =	sadd.s32 s10, s29;
	s21 =	sadd.s32 $0xAD200, s13;
	s11 =	smax.u32 s14, $0x1  }
0x10: {  	s13 =	simm.s32 $0x3;
	s14 =	simm.s32 $0x1400;
	s12 =	sadd.s32 $0x280, s31  }
0x11: {  	s20 =	sadd.s32 s20, s21;
	s21 =	simm.s32 $0x0;
	s9 =	sadd.s32 s9, s12  }
0x12: {  	s10 =	sadd.s32 s10, s12;
	s12 =	sshrl.u32 s15, $0x3;
	s15 =	simm.s32 $0x80  }
.LBB2_1:
0x13: {  	[spmem:s12], [sflag:s6] =	dma.local [hbm:s5], $0x2800  }
0x14: {  	_ =	swait.ge [sflag:s13], $0x2800  }
0x15: {  	[sflag:s13] =	ssyncset.done $0x0  }
0x16: {  	[sflag:s13] =	ssyncadd.s32 $0xFFFFD800  }
0x17: {  	[bflag:$0x0] =	sbarrier.arrive $0xFFFF  }
0x18: {  	[tilespmem:s3], [sflag:$0x3] =	stream.linear.gather [hbm4b:s7+s3], $0x1400, $0x38;
	[tilespmem:$0x1E800] =	vst v63  }
0x19: {  	_ =	swait.ge [sflag:s13], $0x1400  }
0x1a: {  	[sflag:s13] =	ssyncset.done $0x0  }
0x1b: {  	[sflag:s13] =	ssyncadd.s32 $0xFFFFEC00  }
0x1c: {  	[tilespmem:s14], [sflag:$0x3] =	stream.linear.gather [hbm4b:s8+s3], $0x1400, $0x38;
	[tilespmem:$0x1E800] =	vst v63  }
0x1d: {  	_ =	swait.ge [sflag:s13], $0x1400  }
0x1e: {  	[sflag:s13] =	ssyncset.done $0x0  }
0x1f: {  	s22 =	simm.s32 $0x0;
	[sflag:s13] =	ssyncadd.s32 $0xFFFFEC00  }
0x20: {  	[tilespmem:s16], [sflag:$0x1] =	stream.indirect.gather [hbm4b:s4+s15], $0x80, s22, s15, $0xb8;
	[tilespmem:$0x1E800] =	vst v63  }
0x21: {  	s29 =	simm.s32 $0x80  }
0x22: {  	[tilespmem:s17], [sflag:$0x1] =	stream.indirect.gather [hbm4b:s4+s15], $0x80, s29, s15, $0xb8;
	[tilespmem:$0x1E800] =	vst v63  }
0x23: {  	_ =	swait.ge [sflag:s18], $0x4000  }
0x24: {  	[sflag:s18] =	ssyncset.done $0x0  }
0x25: {  	[sflag:s18] =	ssyncadd.s32 $0xFFFFC000  }
0x26: {  	_ =	swait.ge [sflag:s18], $0x4000  }
0x27: {  	[sflag:s18] =	ssyncset.done $0x0  }
0x28: {  	s30 =	simm.s32 $0x1400;
	[sflag:s18] =	ssyncadd.s32 $0xFFFFC000  }
0x29: {  	[spmem:s2] =	stream.indirect.scatter.add.f32 [tilespmem:s16], [sflag:$0x2], $0x80, s30, s15, $0xb8;
	[tilespmem:$0x1E800] =	vst v63  }
0x2a: {  	s31 =	simm.s32 $0x1480  }
0x2b: {  	[spmem:s2] =	stream.indirect.scatter.add.f32 [tilespmem:s17], [sflag:$0x2], $0x80, s31, s15, $0xb8;
	[tilespmem:$0x1E800] =	vst v63  }
0x2c: {  	_ =	swait.ge [sflag:s19], $0x4000  }
0x2d: {  	[sflag:s19] =	ssyncset.done $0x0  }
0x2e: {  	[sflag:s19] =	ssyncadd.s32 $0xFFFFC000  }
0x2f: {  	_ =	swait.ge [sflag:s19], $0x4000  }
0x30: {  	s23 =	simm.s32 $0x800;
	s22 =	simm.s32 $0x400;
	[sflag:s19] =	ssyncset.done $0x0  }
.LBB2_2:
0x31: {  	s24 =	sshra.s32 s22, $0x2  }
0x32: {  	[sflag:s19] =	ssyncadd.s32 $0xFFFFC000;
	s22 =	smov.u32 s23;
	s25 =	sadd.s32 $0x400, s23  }
0x33: {  	[tilespmem:s16], [sflag:$0x1] =	stream.indirect.gather [hbm4b:s4+s15], $0x80, s24, s15, $0xb8;
	[tilespmem:$0x1E800] =	vst v63  }
0x34: {  	p0 =	sne.s32 s23, $0x4C00;
	s23 =	sadd.s32 $0x80, s24  }
0x35: {  	[tilespmem:s17], [sflag:$0x1] =	stream.indirect.gather [hbm4b:s4+s15], $0x80, s23, s15, $0xb8;
	[tilespmem:$0x1E800] =	vst v63  }
0x36: {  	_ =	swait.ge [sflag:s18], $0x4000  }
0x37: {  	[sflag:s18] =	ssyncset.done $0x0  }
0x38: {  	[sflag:s18] =	ssyncadd.s32 $0xFFFFC000  }
0x39: {  	_ =	swait.ge [sflag:s18], $0x4000  }
0x3a: {  	[sflag:s18] =	ssyncset.done $0x0  }
0x3b: {  	s23 =	sadd.s32 $0x1400, s24;
	[sflag:s18] =	ssyncadd.s32 $0xFFFFC000  }
0x3c: {  	[spmem:s2] =	stream.indirect.scatter.add.f32 [tilespmem:s16], [sflag:$0x2], $0x80, s23, s15, $0xb8;
	[tilespmem:$0x1E800] =	vst v63  }
0x3d: {  	s23 =	sadd.s32 $0x1480, s24  }
0x3e: {  	[spmem:s2] =	stream.indirect.scatter.add.f32 [tilespmem:s17], [sflag:$0x2], $0x80, s23, s15, $0xb8;
	[tilespmem:$0x1E800] =	vst v63  }
.Ltmp0:
0x3f: {  	_ =	swait.ge [sflag:s19], $0x4000;
	(pc) =	sbr.rel @p0 .LBB2_2-.Ltmp0, $4  }
0x40: {  	[sflag:s19] =	ssyncset.done $0x0  }
0x41: {  	[sflag:s19] =	ssyncadd.s32 $0xFFFFC000  }
0x42: {  	_ =	swait.ge [sflag:s19], $0x4000  }
0x43: {  	s23 =	smov.u32 s25;
	[sflag:s19] =	ssyncset.done $0x0  }
0x44: {  	s22 =	sshra.s32 s22, $0x2;
	[sflag:s19] =	ssyncadd.s32 $0xFFFFC000  }
0x45: {  	[tilespmem:s16], [sflag:$0x1] =	stream.indirect.gather [hbm4b:s4+s15], $0x80, s22, s15, $0xb8;
	[tilespmem:$0x1E800] =	vst v63  }
0x46: {  	s23 =	sadd.s32 $0x80, s22  }
0x47: {  	[tilespmem:s17], [sflag:$0x1] =	stream.indirect.gather [hbm4b:s4+s15], $0x80, s23, s15, $0xb8;
	[tilespmem:$0x1E800] =	vst v63  }
0x48: {  	_ =	swait.ge [sflag:s18], $0x4000  }
0x49: {  	[sflag:s18] =	ssyncset.done $0x0  }
0x4a: {  	[sflag:s18] =	ssyncadd.s32 $0xFFFFC000  }
0x4b: {  	_ =	swait.ge [sflag:s18], $0x4000  }
0x4c: {  	[sflag:s18] =	ssyncset.done $0x0  }
0x4d: {  	s25 =	sadd.s32 $0x1400, s22;
	[sflag:s18] =	ssyncadd.s32 $0xFFFFC000  }
0x4e: {  	[spmem:s2] =	stream.indirect.scatter.add.f32 [tilespmem:s16], [sflag:$0x2], $0x80, s25, s15, $0xb8;
	[tilespmem:$0x1E800] =	vst v63  }
0x4f: {  	s22 =	sadd.s32 $0x1480, s22  }
0x50: {  	[spmem:s2] =	stream.indirect.scatter.add.f32 [tilespmem:s17], [sflag:$0x2], $0x80, s22, s15, $0xb8;
	[tilespmem:$0x1E800] =	vst v63  }
0x51: {  	_ =	swait.ge [sflag:s19], $0x4000  }
0x52: {  	[sflag:s19] =	ssyncset.done $0x0  }
0x53: {  	[sflag:s19] =	ssyncadd.s32 $0xFFFFC000  }
0x54: {  	_ =	swait.ge [sflag:s19], $0x4000  }
0x55: {  	[sflag:s19] =	ssyncset.done $0x0  }
0x56: {  	s26 =	simm.s32 $0x0;
	[sflag:s19] =	ssyncadd.s32 $0xFFFFC000  }
0x57: {  	[tilespmem:s26], [sflag:$0x3] =	stream.linear.gather [hbm4b:s9+s26], $0x1400, $0x38;
	[tilespmem:$0x1E800] =	vst v63  }
0x58: {  	_ =	swait.ge [sflag:s13], $0x1400  }
0x59: {  	[sflag:s13] =	ssyncset.done $0x0  }
0x5a: {  	[sflag:s13] =	ssyncadd.s32 $0xFFFFEC00  }
0x5b: {  	[tilespmem:s14], [sflag:$0x3] =	stream.linear.gather [hbm4b:s10+s26], $0x1400, $0x38;
	[tilespmem:$0x1E800] =	vst v63  }
0x5c: {  	_ =	swait.ge [sflag:s13], $0x1400  }
0x5d: {  	[sflag:s13] =	ssyncset.done $0x0  }
0x5e: {  	s28 =	simm.s32 $0x0;
	[sflag:s13] =	ssyncadd.s32 $0xFFFFEC00  }
0x5f: {  	[tilespmem:s16], [sflag:$0x1] =	stream.indirect.gather [hbm4b:s4+s15], $0x80, s28, s15, $0xb8;
	[tilespmem:$0x1E800] =	vst v63  }
0x60: {  	s29 =	simm.s32 $0x80  }
0x61: {  	[tilespmem:s17], [sflag:$0x1] =	stream.indirect.gather [hbm4b:s4+s15], $0x80, s29, s15, $0xb8;
	[tilespmem:$0x1E800] =	vst v63  }
0x62: {  	_ =	swait.ge [sflag:s18], $0x4000  }
0x63: {  	[sflag:s18] =	ssyncset.done $0x0  }
0x64: {  	[sflag:s18] =	ssyncadd.s32 $0xFFFFC000  }
0x65: {  	_ =	swait.ge [sflag:s18], $0x4000  }
0x66: {  	[sflag:s18] =	ssyncset.done $0x0  }
0x67: {  	s30 =	simm.s32 $0x1400;
	[sflag:s18] =	ssyncadd.s32 $0xFFFFC000  }
0x68: {  	[spmem:s2] =	stream.indirect.scatter.add.f32 [tilespmem:s16], [sflag:$0x2], $0x80, s30, s15, $0xb8;
	[tilespmem:$0x1E800] =	vst v63  }
0x69: {  	s31 =	simm.s32 $0x1480  }
0x6a: {  	[spmem:s2] =	stream.indirect.scatter.add.f32 [tilespmem:s17], [sflag:$0x2], $0x80, s31, s15, $0xb8;
	[tilespmem:$0x1E800] =	vst v63  }
0x6b: {  	_ =	swait.ge [sflag:s19], $0x4000  }
0x6c: {  	[sflag:s19] =	ssyncset.done $0x0  }
0x6d: {  	[sflag:s19] =	ssyncadd.s32 $0xFFFFC000  }
0x6e: {  	_ =	swait.ge [sflag:s19], $0x4000  }
0x6f: {  	s23 =	simm.s32 $0x800;
	s22 =	simm.s32 $0x400;
	[sflag:s19] =	ssyncset.done $0x0  }
.LBB2_4:
0x70: {  	s24 =	sshra.s32 s22, $0x2  }
0x71: {  	[sflag:s19] =	ssyncadd.s32 $0xFFFFC000;
	s22 =	smov.u32 s23;
	s25 =	sadd.s32 $0x400, s23  }
0x72: {  	[tilespmem:s16], [sflag:$0x1] =	stream.indirect.gather [hbm4b:s4+s15], $0x80, s24, s15, $0xb8;
	[tilespmem:$0x1E800] =	vst v63  }
0x73: {  	p0 =	sne.s32 s23, $0x4C00;
	s23 =	sadd.s32 $0x80, s24  }
0x74: {  	[tilespmem:s17], [sflag:$0x1] =	stream.indirect.gather [hbm4b:s4+s15], $0x80, s23, s15, $0xb8;
	[tilespmem:$0x1E800] =	vst v63  }
0x75: {  	_ =	swait.ge [sflag:s18], $0x4000  }
0x76: {  	[sflag:s18] =	ssyncset.done $0x0  }
0x77: {  	[sflag:s18] =	ssyncadd.s32 $0xFFFFC000  }
0x78: {  	_ =	swait.ge [sflag:s18], $0x4000  }
0x79: {  	[sflag:s18] =	ssyncset.done $0x0  }
0x7a: {  	s23 =	sadd.s32 $0x1400, s24;
	[sflag:s18] =	ssyncadd.s32 $0xFFFFC000  }
0x7b: {  	[spmem:s2] =	stream.indirect.scatter.add.f32 [tilespmem:s16], [sflag:$0x2], $0x80, s23, s15, $0xb8;
	[tilespmem:$0x1E800] =	vst v63  }
0x7c: {  	s23 =	sadd.s32 $0x1480, s24  }
0x7d: {  	[spmem:s2] =	stream.indirect.scatter.add.f32 [tilespmem:s17], [sflag:$0x2], $0x80, s23, s15, $0xb8;
	[tilespmem:$0x1E800] =	vst v63  }
.Ltmp1:
0x7e: {  	_ =	swait.ge [sflag:s19], $0x4000;
	(pc) =	sbr.rel @p0 .LBB2_4-.Ltmp1, $4  }
0x7f: {  	[sflag:s19] =	ssyncset.done $0x0  }
0x80: {  	[sflag:s19] =	ssyncadd.s32 $0xFFFFC000  }
0x81: {  	_ =	swait.ge [sflag:s19], $0x4000  }
0x82: {  	s23 =	smov.u32 s25;
	[sflag:s19] =	ssyncset.done $0x0  }
0x83: {  	s22 =	sshra.s32 s22, $0x2;
	[sflag:s19] =	ssyncadd.s32 $0xFFFFC000  }
0x84: {  	[tilespmem:s16], [sflag:$0x1] =	stream.indirect.gather [hbm4b:s4+s15], $0x80, s22, s15, $0xb8;
	[tilespmem:$0x1E800] =	vst v63  }
0x85: {  	s23 =	sadd.s32 $0x80, s22  }
0x86: {  	[tilespmem:s17], [sflag:$0x1] =	stream.indirect.gather [hbm4b:s4+s15], $0x80, s23, s15, $0xb8;
	[tilespmem:$0x1E800] =	vst v63  }
0x87: {  	_ =	swait.ge [sflag:s18], $0x4000  }
0x88: {  	[sflag:s18] =	ssyncset.done $0x0  }
0x89: {  	[sflag:s18] =	ssyncadd.s32 $0xFFFFC000  }
0x8a: {  	_ =	swait.ge [sflag:s18], $0x4000  }
0x8b: {  	[sflag:s18] =	ssyncset.done $0x0  }
0x8c: {  	s31 =	sadd.s32 $0x1400, s22;
	[sflag:s18] =	ssyncadd.s32 $0xFFFFC000  }
0x8d: {  	[spmem:s2] =	stream.indirect.scatter.add.f32 [tilespmem:s16], [sflag:$0x2], $0x80, s31, s15, $0xb8;
	[tilespmem:$0x1E800] =	vst v63  }
0x8e: {  	s22 =	sadd.s32 $0x1480, s22  }
0x8f: {  	[spmem:s2] =	stream.indirect.scatter.add.f32 [tilespmem:s17], [sflag:$0x2], $0x80, s22, s15, $0xb8;
	[tilespmem:$0x1E800] =	vst v63  }
0x90: {  	_ =	swait.ge [sflag:s19], $0x4000  }
0x91: {  	[sflag:s19] =	ssyncset.done $0x0  }
0x92: {  	[sflag:s19] =	ssyncadd.s32 $0xFFFFC000  }
0x93: {  	_ =	swait.ge [sflag:s19], $0x4000  }
0x94: {  	s21 =	sadd.s32 $0x1, s21;
	[sflag:s19] =	ssyncset.done $0x0  }
0x95: {  	p0 =	sne.s32 s21, s11;
	[sflag:s19] =	ssyncadd.s32 $0xFFFFC000  }
.Ltmp2:
0x96: {  	[bflag:$0x0] =	sbarrier.arrive $0xFFFF;
	(pc) =	sbr.rel @p0 .LBB2_1-.Ltmp2, $4  }
0x97: {  	[hbm:s20], [sflag:s6] =	dma.local [spmem:s12], $0x2800  }
0x98: {  	_ =	swait.ge [sflag:s13], $0x2800  }
0x99: {  	[sflag:s13] =	ssyncset.done $0x0  }
0x9a: {  	[sflag:s13] =	ssyncadd.s32 $0xFFFFD800  }
0x9b: {  	_ =	sfence.sel $0x180000  }
0x9c: {  	[bflag:$0x0] =	sbarrier.arrive $0xFFFF  }
0x9d: {  	p0 =	sne.s32 s1, $0x0;
	_ =	strace $0x9000004D  }
0x9e: {  	s0 =	sadd.s32 @!p0 $0x100000, s0;
	[bflag:$0x2] =	sbarrier.arrive $0xFFFF  }
0x9f: {  	[sflag:s0] =	ssyncadd.tile.s32 @!p0 $0x1;
	_ =	shalt  }
.Lfunc_end2:
_tile_overlayer_lowered:
.L_overlay_start_2:
0xa0: {  	(tag) =	ssettag $0x2  }
0xa1: {  	s0 =	rddreg [dreg:$0x0];
	s2 =	stileid.u32  }
0xa2: {  	s1 =	rddreg [dreg:$0x1];
	p0 =	sne.s32 s2, $0x0  }
0xa3: {  	s3 =	rddreg [dreg:$0x2];
	[bflag:$0x3] =	sbarrier.arrive $0xFFFF;
	s2 =	simm.s32 @!p0 $0x1C03  }
0xa4: {  	[timem:s3], [sflag:s2] =	dma.local @!p0 [hbm:s0], s1  }
0xa5: {  	s0 =	simm.s32 @!p0 $0x3  }
0xa6: {  	_ =	swait.ge @!p0 [sflag:s0], s1  }
0xa7: {  	s1 =	ssub.s32 @!p0 $0x0, s1;
	[sflag:s0] =	ssyncset.done @!p0 $0x0  }
0xa8: {  	[sflag:s0] =	ssyncadd.s32 @!p0 s1  }
0xa9: {  	[bflag:$0x3] =	sbarrier.arrive $0xFFFF  }
0xaa: {  	_ =	shalt  }

// kernel: kernel.8.cloned.1.call-start
scs
__scs_entry_jumppad:
0x0: {  	(pc) =	sbr.rel $0x88, $3  }
0x1: {  	(tag) =	ssettag $0x0;
	lr =	simm.s32 $0x1  }
0x2: {  	[smem:$0x3F9B] =	sst lr;
	_ =	strace $0xD0000000  }
0x3: {  	_ = 	snop  }
0x4: {  	_ = 	snop  }
0x5: {  	_ = 	snop  }
0x6: {  	_ = 	snop  }
0x7: {  	_ = 	snop  }
__scs_overlays_trampoline_lowered:
0x8: {  	[smem:$0x3FAA] =	sst s0  }
0x9: {  	[smem:$0x3FAB] =	sst s1  }
0xa: {  	[smem:$0x3FAC] =	sst s2  }
0xb: {  	[smem:$0x3FAD] =	sst s3  }
0xc: {  	[smem:$0x3FAE] =	sst s4  }
0xd: {  	[smem:$0x3FAF] =	sst s5  }
0xe: {  	[smem:$0x3FB0] =	sst s6  }
0xf: {  	[smem:$0x3FB1] =	sst s7  }
0x10: {  	[smem:$0x3FB2] =	sst s8  }
0x11: {  	[smem:$0x3FB3] =	sst s9;
	s0 =	simm.s32 @!p0 $0x0  }
0x12: {  	s1 =	sld [smem:$0x3F99];
	s0 =	simm.s32 @p0 $0x1  }
0x13: {  	[smem:$0x3FB4] =	sst s0;
	s0 =	simm.s32 @!p1 $0x0  }
0x14: {  	s2 =	sld [smem:$0x3F98];
	s0 =	simm.s32 @p1 $0x1  }
0x15: {  	[smem:$0x3FB5] =	sst s0;
	s0 =	simm.s32 @!p2 $0x0  }
0x16: {  	s3 =	sld [smem:$0x3FDB];
	s0 =	simm.s32 @p2 $0x1  }
0x17: {  	s4 =	simm.s32 $0x1BF5;
	[smem:$0x3FB7] =	sst s0  }
0x18: {  	s0 =	sld [smem:$0x3F9A];
	_ =	swait.ge [sflag:s4], $0x0  }
0x19: {  	s7 =	sld [smem:$0x3F9B]  }
0x1a: {  	s8 =	sadd.s32 $0xFFFFE003, lr  }
0x1b: {  	s9 =	sadd.s32 $0xFFFFFEF7, lr;
	s5 =	simm.s32 $0xFFFFFFFF;
	p2 =	slt.u32 s8, $0xFFFFF086  }
0x1c: {  	p1 =	slt.u32 s9, $0xF7A;
	s5 =	simm.s32 @!p2 $0x0  }
0x1d: {  	s5 =	simm.s32 @p1 $0x1;
	p0 =	seq.s32 s7, s2  }
0x1e: {  	s7 =	smul.u32 @!p0 $0xF7A, s2;
	p2 =	seq.s32 @!p0 s5, $0x0  }
0x1f: {  	s9 =	smul.u32 $0xF7A, s1;
	s8 =	simm.s32 @!p0 $0x1BF5;
	p2 =	por !p2, p0  }
0x20: {  	[sflag:s8] =	ssyncset.s32 @!p0 $0xFFFFF086;
	s6 =	sadd.s32 @!p0 s3, s7;
	s7 =	simm.s32 @!p0 $0x108  }
0x21: {  	s3 =	sadd.s32 s3, s9;
	s6 =	sadd.s32 @!p0 $0x88, s6;
	s7 =	simm.s32 @p2 $0x1082  }
0x22: {  	[simem:s7], [sflag:s8] =	dma.local @!p0 [hbm:s6], $0xF7A  }
0x23: {  	s9 =	sor.u32 $0xD0000000, s2;
	s6 =	simm.s32 $0x108;
	_ =	swait.ge @!p0 [sflag:s8], $0x0  }
0x24: {  	s3 =	sadd.s32 $0x88, s3;
	s6 =	simm.s32 @!p1 $0x1082;
	[sflag:s4] =	ssyncset.s32 $0xFFFFF086  }
0x25: {  	[simem:s6], [sflag:s4] =	dma.local [hbm:s3], $0xF7A  }
0x26: {  	[smem:$0x3F9B] =	sst s1;
	(tag) =	ssettag s2;
	_ =	strace s9  }
0x27: {  	s1 =	sld [smem:$0x3FAB]  }
0x28: {  	s2 =	sld [smem:$0x3FAC]  }
0x29: {  	s4 =	sld [smem:$0x3FAE]  }
0x2a: {  	p0 =	seq.s32 s5, $0x0;
	s5 =	sld [smem:$0x3FAF]  }
0x2b: {  	s6 =	sld [smem:$0x3FB0]  }
0x2c: {  	s7 =	sld [smem:$0x3FB1]  }
0x2d: {  	s3 =	simm.s32 $0x108;
	s8 =	sld [smem:$0x3FB2]  }
0x2e: {  	s3 =	simm.s32 @!p0 $0x1082;
	s9 =	sld [smem:$0x3FB3]  }
0x2f: {  	lr =	sadd.s32 s0, s3;
	s0 =	sld [smem:$0x3FAA]  }
0x30: {  	s3 =	sld [smem:$0x3FAD]  }
0x31: {  	[smem:$0x3FB6] =	sst s10  }
0x32: {  	s10 =	sld [smem:$0x3FB4];
	_ =	sdelay $0x3  }
0x33: {  	p0 =	seq.s32 s10, $0x1;
	s10 =	sld [smem:$0x3FB6];
	_ =	sdelay $0x3  }
0x34: {  	[smem:$0x3FB6] =	sst s10  }
0x35: {  	s10 =	sld [smem:$0x3FB5];
	_ =	sdelay $0x3  }
0x36: {  	p1 =	seq.s32 s10, $0x1;
	s10 =	sld [smem:$0x3FB6];
	_ =	sdelay $0x3  }
0x37: {  	[smem:$0x3FB6] =	sst s10  }
0x38: {  	s10 =	sld [smem:$0x3FB7]  }
0x39: {  	_ = 	snop;
	(pc) =	sbr.ind lr, $3  }
0x3a: {  	_ = 	snop  }
0x3b: {  	_ = 	snop  }
0x3c: {  	p2 =	seq.s32 s10, $0x1;
	s10 =	sld [smem:$0x3FB6]  }
0x3d: {  	_ =	shalt  }
0x3e: {  	_ =	shalt  }
0x3f: {  	_ =	shalt  }
0x40: {  	_ =	shalt  }
0x41: {  	_ =	shalt  }
0x42: {  	_ =	shalt  }
0x43: {  	_ =	shalt  }
0x44: {  	_ =	shalt  }
0x45: {  	_ =	shalt  }
0x46: {  	_ =	shalt  }
0x47: {  	_ =	shalt  }
0x48: {  	_ =	shalt  }
0x49: {  	_ =	shalt  }
0x4a: {  	_ =	shalt  }
0x4b: {  	_ =	shalt  }
0x4c: {  	_ =	shalt  }
0x4d: {  	_ =	shalt  }
0x4e: {  	_ =	shalt  }
0x4f: {  	_ =	shalt  }
0x50: {  	_ =	shalt  }
0x51: {  	_ =	shalt  }
0x52: {  	_ =	shalt  }
0x53: {  	_ =	shalt  }
0x54: {  	_ =	shalt  }
0x55: {  	_ =	shalt  }
0x56: {  	_ =	shalt  }
0x57: {  	_ =	shalt  }
0x58: {  	_ =	shalt  }
0x59: {  	_ =	shalt  }
0x5a: {  	_ =	shalt  }
0x5b: {  	_ =	shalt  }
0x5c: {  	_ =	shalt  }
0x5d: {  	_ =	shalt  }
0x5e: {  	_ =	shalt  }
0x5f: {  	_ =	shalt  }
0x60: {  	_ =	shalt  }
0x61: {  	_ =	shalt  }
0x62: {  	_ =	shalt  }
0x63: {  	_ =	shalt  }
0x64: {  	_ =	shalt  }
0x65: {  	_ =	shalt  }
0x66: {  	_ =	shalt  }
0x67: {  	_ =	shalt  }
0x68: {  	_ =	shalt  }
0x69: {  	_ =	shalt  }
0x6a: {  	_ =	shalt  }
0x6b: {  	_ =	shalt  }
0x6c: {  	_ =	shalt  }
0x6d: {  	_ =	shalt  }
0x6e: {  	_ =	shalt  }
0x6f: {  	_ =	shalt  }
0x70: {  	_ =	shalt  }
0x71: {  	_ =	shalt  }
0x72: {  	_ =	shalt  }
0x73: {  	_ =	shalt  }
0x74: {  	_ =	shalt  }
0x75: {  	_ =	shalt  }
0x76: {  	_ =	shalt  }
0x77: {  	_ =	shalt  }
0x78: {  	_ =	shalt  }
0x79: {  	_ =	shalt  }
0x7a: {  	_ =	shalt  }
0x7b: {  	_ =	shalt  }
0x7c: {  	_ =	shalt  }
0x7d: {  	_ =	shalt  }
0x7e: {  	_ =	shalt  }
0x7f: {  	_ =	shalt  }
0x80: {  	_ =	shalt  }
0x81: {  	_ =	shalt  }
0x82: {  	_ =	shalt  }
0x83: {  	_ =	shalt  }
0x84: {  	_ =	shalt  }
0x85: {  	_ =	shalt  }
0x86: {  	_ =	shalt  }
0x87: {  	_ =	shalt  }
.Lfunc_end0:
.L_simem_size_0:
called_computation_lowered:
.L_overlay_start_0:
0x88: {  	s2 =	sld [smem:$0x3FD9]  }
0x89: {  	s3 =	sld [smem:$0x3FFE];
	_ =	sdelay $0x1  }
0x8a: {  	s1 =	srdreg.scid  }
0x8b: {  	s0 =	sand.u32 $0x1, s1  }
0x8c: {  	s16 =	sshll.u32 s0, $0xA;
	s2 =	sadd.s32 s3, s2  }
0x8d: {  	s2 =	sadd.s32 s2, s16  }
0x8e: {  	[smem:$0x3FC2] =	sst s2  }
0x8f: {  	_ = 	snop  }
0x90: {  	(tm) =	ssettm $0x1  }
0x91: {  	s17 =	sld [smem:$0x3FFB];
	_ =	sdelay $0x3  }
0x92: {  	_ =	strace s17  }
0x93: {  	s2 =	sld [smem:$0x3FFC];
	_ =	sdelay $0x3  }
0x94: {  	_ =	strace s2  }
0x95: {  	s2 =	sld [smem:$0x3FFD];
	_ =	sdelay $0x3  }
0x96: {  	_ =	strace s2  }
0x97: {  	_ =	strace $0x8FFFFFFF  }
0x98: {  	s18 =	sld [smem:$0x3FDB];
	_ =	sdelay $0x1  }
0x99: {  	s19 =	simm.s32 $_scs_section_size  }
0x9a: {  	s4 =	simm.s32 $_size__tile_overlayer_lowered;
	s5 =	simm.s32 $_tile_overlayer_lowered  }
0x9b: {  	s22 =	simm.s32 $0x1BFF;
	s21 =	sshll.u32 s5, $0x1;
	s2 =	sadd.s32 s19, s18  }
0x9c: {  	s6 =	simm.s32 $0x0;
	s20 =	sshll.u32 s4, $0x1;
	s4 =	sadd.s32 s21, s2  }
0x9d: {  	[timem:s6], [sflag:s22] =	dma.local [hbm:s4], s20  }
0x9e: {  	_ =	swait.ge [sflag:s22], s20  }
0x9f: {  	s3 =	ssub.s32 $0x0, s20;
	[sflag:s22] =	ssyncset.done $0x0  }
0xa0: {  	[sflag:s22] =	ssyncadd.s32 s3;
	_ =	sdelay $0x1  }
0xa1: {  	s23 =	simm.s32 $0x1B8B  }
0xa2: {  	_ =	swait.ge [sflag:s23], $0x1  }
0xa3: {  	[sflag:s23] =	ssyncset.done $0x0  }
0xa4: {  	s25 =	simm.s32 $0x1B8E;
	s24 =	sld [smem:$0x3FFE];
	[sflag:s23] =	ssyncadd.s32 $0xFFFFFFFF  }
0xa5: {  	s26 =	simm.s32 $execute0_lowered;
	[smem:$0x3FD2] =	sst s25  }
0xa6: {  	s4 =	sshll.u32 s26, $0x1;
	_ =	strace $0x80000046;
	[dreg:$0x1] =	wrdreg $0xFFFFFFFF  }
0xa7: {  	s28 =	simm.s32 $_size_execute0_lowered;
	s2 =	sadd.s32 s2, s4;
	[dreg:$0x0] =	wrdreg $0x0  }
0xa8: {  	s4 =	sshll.u32 s28, $0x1;
	[dreg:$0x2] =	wrdreg s2  }
0xa9: {  	[dreg:$0x3] =	wrdreg s4  }
0xaa: {  	[dreg:$0x4] =	wrdreg $0xC0  }
0xab: {  	_ =	task [dreg:s6], $0x5FFFF  }
0xac: {  	[dreg:$0x1] =	wrdreg $0xFFFFFFFF  }
0xad: {  	[dreg:$0x0] =	wrdreg $0x60  }
0xae: {  	[dreg:$0x2] =	wrdreg s24  }
0xaf: {  	[dreg:$0x3] =	wrdreg $0x68000  }
0xb0: {  	[dreg:$0x4] =	wrdreg $0x9  }
0xb1: {  	_ =	task.clear_ibuf [dreg:s6], $0x5FFFF;
	_ =	strace $0x90000046  }
0xb2: {  	s29 =	simm.s32 $0x9;
	_ =	strace $0x80000048  }
0xb3: {  	_ =	swait.ge [sflag:s29], $0x1  }
0xb4: {  	[sflag:s29] =	ssyncadd.s32 $0xFFFFFFFF  }
0xb5: {  	_ =	strace $0x90000048  }
0xb6: {  	_ =	sfence  }
0xb7: {  	s30 =	sld [smem:$0x0];
	_ =	sdelay $0x2  }
0xb8: {  	s31 =	sshll.u32 s1, $0xD;
	s1 =	sshrl.u32 s1, $0x2  }
0xb9: {  	s3 =	sand.u32 $0x4000, s31;
	s1 =	sadd.s32 s1, s30  }
0xba: {  	s0 =	sor.u32 s3, s0;
	s1 =	sshll.u32 s1, $0x11  }
0xbb: {  	s0 =	sor.u32 s1, s0  }
0xbc: {  	s0 =	sadd.s32 $0x8F2B, s0  }
0xbd: {  	[sflag:s0] =	ssyncadd.remote.s32 $0x1  }
0xbe: {  	_ =	sfence.sel $0xFFFF  }
0xbf: {  	[dreg:$0x0] =	wrdreg $0xFFFFFFFF;
	(pc) =	sbr.abs _section_cstart, $3  }
0xc0: {  	[dreg:$0x1] =	wrdreg $0xFFFFFFFF  }
0xc1: {  	_ =	task.clear_ibuf [dreg:s6], $0x2FFFF;
	_ =	strace $0x9FFFFFFF  }
0xc2: {  	(tm) =	ssettm $0x7FFFFFFF  }
0xc3: {  	_ =	shalt  }
tec
execute0_lowered:
.L_overlay_start_1:
0x0: {  	(tag) =	ssettag $0x1  }
0x1: {  	s1 =	srdreg.scid;
	s6 =	rddreg [dreg:$0x0]  }
0x2: {  	s0 =	stileid.u32;
	s2 =	rddreg [dreg:$0x1]  }
0x3: {  	s3 =	simm.s32 $0x0;
	s13 =	simm.s32 $0x1;
	s14 =	smul.u32 $0x2800, s0  }
0x4: {  	s5 =	sand.u32 $0x1, s1;
	s29 =	sshll.u32 s0, $0x1;
	s9 =	smul.u32 $0x50000, s0  }
0x5: {  	[smem:$0x7FF] =	sst s3;
	s1 =	sor.u32 s5, s29;
	s7 =	smul.u32 $0x28000, s5  }
0x6: {  	s31 =	sshll.u32 s0, $0x6;
	s5 =	ssub.s32 $0x2, s5;
	s4 =	smul.u32 $0x500, s1  }
0x7: {  	s1 =	rddreg [dreg:$0x2];
	_ =	strace $0x80000047;
	s10 =	sadd.s32 s14, s6  }
0x8: {  	s30 =	sshrl.u32 s5, $0x1;
	s9 =	sshrl.u32 s9, $0x2;
	s7 =	sadd.s32 s7, s6  }
0x9: {  	s11 =	ssub.s32 s5, s30;
	s12 =	sadd.s32 s9, s2;
	s9 =	simm.s32 $0x2800  }
0xa: {  	s8 =	sadd.s32 s4, s6;
	s4 =	sadd.s32 $0xCA00, s6;
	s6 =	sadd.s32 $0xD200, s10  }
0xb: {  	s15 =	sadd.s32 $0x35200, s7;
	s7 =	smax.u32 s11, $0x1;
	s10 =	sor.u32 $0x1C02, s31  }
0xc: {  	s11 =	sshrl.u32 s12, $0x3;
	s12 =	simm.s32 $0x80;
	s5 =	sadd.s32 $0x2A00, s8  }
0xd: {  	s8 =	simm.s32 $0x2;
	s14 =	sadd.s32 s14, s15;
	s15 =	simm.s32 $0x0  }
.LBB2_1:
0xe: {  	[tilespmem:s3], [sflag:$0x2] =	stream.linear.gather [hbm4b:s5+s3], $0x2800, $0x38;
	[tilespmem:$0x1A800] =	vst v63  }
0xf: {  	_ =	swait.ge [sflag:s8], $0x2800  }
0x10: {  	[sflag:s8] =	ssyncset.done $0x0  }
0x11: {  	[sflag:s8] =	ssyncadd.s32 $0xFFFFD800  }
0x12: {  	[tilespmem:s9], [sflag:$0x2] =	stream.linear.gather [hbm4b:s4+s3], $0x4000, $0x38;
	[tilespmem:$0x1A800] =	vst v63  }
0x13: {  	_ =	swait.ge [sflag:s8], $0x4000  }
0x14: {  	[sflag:s8] =	ssyncset.done $0x0  }
0x15: {  	[sflag:s8] =	ssyncadd.s32 $0xFFFFC000  }
0x16: {  	[spmem:s11], [sflag:s10] =	dma.local [hbm:s6], $0x2800  }
0x17: {  	_ =	swait.ge [sflag:s8], $0x2800  }
0x18: {  	[sflag:s8] =	ssyncset.done $0x0  }
0x19: {  	[sflag:s8] =	ssyncadd.s32 $0xFFFFD800  }
0x1a: {  	s16 =	simm.s32 $0x0;
	[bflag:$0x0] =	sbarrier.arrive $0xFFFF  }
0x1b: {  	[spmem:s2] =	stream.indirect.scatter.add.f32 [tilespmem:s9], [sflag:$0x1], $0x80, s16, s12, $0xb8;
	[tilespmem:$0x1A800] =	vst v63  }
0x1c: {  	s29 =	simm.s32 $0x80  }
0x1d: {  	[spmem:s2] =	stream.indirect.scatter.add.f32 [tilespmem:s9], [sflag:$0x1], $0x80, s29, s12, $0xb8;
	[tilespmem:$0x1A800] =	vst v63  }
0x1e: {  	s30 =	simm.s32 $0x100  }
0x1f: {  	[spmem:s2] =	stream.indirect.scatter.add.f32 [tilespmem:s9], [sflag:$0x1], $0x80, s30, s12, $0xb8;
	[tilespmem:$0x1A800] =	vst v63  }
0x20: {  	s31 =	simm.s32 $0x180  }
0x21: {  	[spmem:s2] =	stream.indirect.scatter.add.f32 [tilespmem:s9], [sflag:$0x1], $0x80, s31, s12, $0xb8;
	[tilespmem:$0x1A800] =	vst v63  }
0x22: {  	_ =	swait.ge [sflag:s13], $0x4000  }
0x23: {  	[sflag:s13] =	ssyncset.done $0x0  }
0x24: {  	[sflag:s13] =	ssyncadd.s32 $0xFFFFC000  }
0x25: {  	_ =	swait.ge [sflag:s13], $0x4000  }
0x26: {  	[sflag:s13] =	ssyncset.done $0x0  }
0x27: {  	[sflag:s13] =	ssyncadd.s32 $0xFFFFC000  }
0x28: {  	_ =	swait.ge [sflag:s13], $0x4000  }
0x29: {  	[sflag:s13] =	ssyncset.done $0x0  }
0x2a: {  	[sflag:s13] =	ssyncadd.s32 $0xFFFFC000  }
0x2b: {  	_ =	swait.ge [sflag:s13], $0x4000  }
0x2c: {  	s17 =	simm.s32 $0x1000;
	s16 =	simm.s32 $0x800;
	[sflag:s13] =	ssyncset.done $0x0  }
.LBB2_2:
0x2d: {  	s18 =	sshra.s32 s16, $0x2  }
0x2e: {  	[sflag:s13] =	ssyncadd.s32 $0xFFFFC000;
	s16 =	smov.u32 s17;
	s19 =	sadd.s32 $0x800, s17  }
0x2f: {  	[spmem:s2] =	stream.indirect.scatter.add.f32 [tilespmem:s9], [sflag:$0x1], $0x80, s18, s12, $0xb8;
	[tilespmem:$0x1A800] =	vst v63  }
0x30: {  	p0 =	sne.s32 s17, $0x9800;
	s17 =	sadd.s32 $0x80, s18  }
0x31: {  	[spmem:s2] =	stream.indirect.scatter.add.f32 [tilespmem:s9], [sflag:$0x1], $0x80, s17, s12, $0xb8;
	[tilespmem:$0x1A800] =	vst v63  }
0x32: {  	s17 =	sadd.s32 $0x100, s18  }
0x33: {  	[spmem:s2] =	stream.indirect.scatter.add.f32 [tilespmem:s9], [sflag:$0x1], $0x80, s17, s12, $0xb8;
	[tilespmem:$0x1A800] =	vst v63  }
0x34: {  	s17 =	sadd.s32 $0x180, s18  }
0x35: {  	[spmem:s2] =	stream.indirect.scatter.add.f32 [tilespmem:s9], [sflag:$0x1], $0x80, s17, s12, $0xb8;
	[tilespmem:$0x1A800] =	vst v63  }
0x36: {  	_ =	swait.ge [sflag:s13], $0x4000  }
0x37: {  	[sflag:s13] =	ssyncset.done $0x0  }
0x38: {  	[sflag:s13] =	ssyncadd.s32 $0xFFFFC000  }
0x39: {  	_ =	swait.ge [sflag:s13], $0x4000  }
0x3a: {  	[sflag:s13] =	ssyncset.done $0x0  }
0x3b: {  	[sflag:s13] =	ssyncadd.s32 $0xFFFFC000  }
.Ltmp0:
0x3c: {  	_ =	swait.ge [sflag:s13], $0x4000;
	(pc) =	sbr.rel @p0 .LBB2_2-.Ltmp0, $4  }
0x3d: {  	[sflag:s13] =	ssyncset.done $0x0  }
0x3e: {  	[sflag:s13] =	ssyncadd.s32 $0xFFFFC000  }
0x3f: {  	_ =	swait.ge [sflag:s13], $0x4000  }
0x40: {  	s17 =	smov.u32 s19;
	[sflag:s13] =	ssyncset.done $0x0  }
0x41: {  	s16 =	sshra.s32 s16, $0x2;
	[sflag:s13] =	ssyncadd.s32 $0xFFFFC000  }
0x42: {  	[spmem:s2] =	stream.indirect.scatter.add.f32 [tilespmem:s9], [sflag:$0x1], $0x80, s16, s12, $0xb8;
	[tilespmem:$0x1A800] =	vst v63  }
0x43: {  	s17 =	sadd.s32 $0x80, s16  }
0x44: {  	[spmem:s2] =	stream.indirect.scatter.add.f32 [tilespmem:s9], [sflag:$0x1], $0x80, s17, s12, $0xb8;
	[tilespmem:$0x1A800] =	vst v63  }
0x45: {  	s31 =	sadd.s32 $0x100, s16  }
0x46: {  	[spmem:s2] =	stream.indirect.scatter.add.f32 [tilespmem:s9], [sflag:$0x1], $0x80, s31, s12, $0xb8;
	[tilespmem:$0x1A800] =	vst v63  }
0x47: {  	s16 =	sadd.s32 $0x180, s16  }
0x48: {  	[spmem:s2] =	stream.indirect.scatter.add.f32 [tilespmem:s9], [sflag:$0x1], $0x80, s16, s12, $0xb8;
	[tilespmem:$0x1A800] =	vst v63  }
0x49: {  	_ =	swait.ge [sflag:s13], $0x4000  }
0x4a: {  	[sflag:s13] =	ssyncset.done $0x0  }
0x4b: {  	[sflag:s13] =	ssyncadd.s32 $0xFFFFC000  }
0x4c: {  	_ =	swait.ge [sflag:s13], $0x4000  }
0x4d: {  	[sflag:s13] =	ssyncset.done $0x0  }
0x4e: {  	[sflag:s13] =	ssyncadd.s32 $0xFFFFC000  }
0x4f: {  	_ =	swait.ge [sflag:s13], $0x4000  }
0x50: {  	[sflag:s13] =	ssyncset.done $0x0  }
0x51: {  	[sflag:s13] =	ssyncadd.s32 $0xFFFFC000  }
0x52: {  	_ =	swait.ge [sflag:s13], $0x4000  }
0x53: {  	s15 =	sadd.s32 $0x1, s15;
	[sflag:s13] =	ssyncset.done $0x0  }
0x54: {  	p0 =	sne.s32 s15, s7;
	[sflag:s13] =	ssyncadd.s32 $0xFFFFC000  }
.Ltmp1:
0x55: {  	[bflag:$0x0] =	sbarrier.arrive $0xFFFF;
	(pc) =	sbr.rel @p0 .LBB2_1-.Ltmp1, $4  }
0x56: {  	[hbm:s14], [sflag:s10] =	dma.local [spmem:s11], $0x2800  }
0x57: {  	_ =	swait.ge [sflag:s8], $0x2800  }
0x58: {  	[sflag:s8] =	ssyncset.done $0x0  }
0x59: {  	[sflag:s8] =	ssyncadd.s32 $0xFFFFD800  }
0x5a: {  	_ =	sfence.sel $0x180000  }
0x5b: {  	[bflag:$0x0] =	sbarrier.arrive $0xFFFF  }
0x5c: {  	p0 =	sne.s32 s0, $0x0;
	_ =	strace $0x90000047  }
0x5d: {  	s0 =	sadd.s32 @!p0 $0x100000, s1;
	[bflag:$0x2] =	sbarrier.arrive $0xFFFF  }
0x5e: {  	[sflag:s0] =	ssyncadd.tile.s32 @!p0 $0x1;
	_ =	shalt  }
.Lfunc_end2:
_tile_overlayer_lowered:
.L_overlay_start_2:
0x5f: {  	(tag) =	ssettag $0x2  }
0x60: {  	s0 =	rddreg [dreg:$0x0];
	s2 =	stileid.u32  }
0x61: {  	s1 =	rddreg [dreg:$0x1];
	p0 =	sne.s32 s2, $0x0  }
0x62: {  	s3 =	rddreg [dreg:$0x2];
	[bflag:$0x3] =	sbarrier.arrive $0xFFFF;
	s2 =	simm.s32 @!p0 $0x1C02  }
0x63: {  	[timem:s3], [sflag:s2] =	dma.local @!p0 [hbm:s0], s1  }
0x64: {  	s0 =	simm.s32 @!p0 $0x2  }
0x65: {  	_ =	swait.ge @!p0 [sflag:s0], s1  }
0x66: {  	s1 =	ssub.s32 @!p0 $0x0, s1;
	[sflag:s0] =	ssyncset.done @!p0 $0x0  }
0x67: {  	[sflag:s0] =	ssyncadd.s32 @!p0 s1  }
0x68: {  	[bflag:$0x3] =	sbarrier.arrive $0xFFFF  }
0x69: {  	_ =	shalt  }

</sc_bundles>
